<compile_context>
chip_gen: v7x
topology: tpu7x:2x2x1
jax: 0.10.2.dev20260603
libtpu: 0.0.44.dev20260713+nightly
codegen_flags: <defaults>
</compile_context>

<pallas_src>
import functools

import jax
import jax.numpy as jnp
from jax import lax
from jax.experimental import pallas as pl
from jax.experimental.pallas import tpu as pltpu
from jax.experimental.pallas import tpu_sc as plsc

_NUM_ROWS = 10000
_H = 128
_B = 320000

_NC = 2
_NS = 16
_NW = _NC * _NS
_BPW = _B // _NW
_CHUNK = 40
_NFULL = _BPW // _CHUNK
_TAIL = _BPW - _NFULL * _CHUNK
_NBUF = 8
_NGROUPS = _NFULL // _NBUF
_NLEFT = _NFULL - _NGROUPS * _NBUF
_RPT = 624
_RPT_REM = _NUM_ROWS - _NS * _RPT


def _sigmoid_body(t_ref, o_ref):
    o_ref[...] = jax.nn.sigmoid(t_ref[...])


def _sigmoid_table(gate_theta):
    return pl.pallas_call(
        _sigmoid_body,
        out_shape=jax.ShapeDtypeStruct((_NUM_ROWS, _H), jnp.float32),
    )(gate_theta)


def _gather(sig_table, idx):
    mesh = plsc.VectorSubcoreMesh(core_axis_name="c", subcore_axis_name="s")

    @functools.partial(
        pl.kernel,
        mesh=mesh,
        out_type=jax.ShapeDtypeStruct((_B, _H), jnp.float32),
        scratch_types=(
            [pltpu.VMEM((_BPW,), jnp.int32)]
            + [pltpu.VMEM((_CHUNK, _H), jnp.float32)] * _NBUF
            + [pltpu.VMEM_SHARED((_NUM_ROWS, _H), jnp.float32)]
            + [pltpu.SemaphoreType.DMA] * (2 * _NBUF)
        ),
    )
    def k(table_hbm, idx_hbm, out_hbm, *scratch):
        idx_v = scratch[0]
        bufs = list(scratch[1:1 + _NBUF])
        tbl_sh = scratch[1 + _NBUF]
        gsems = list(scratch[2 + _NBUF:2 + 2 * _NBUF])
        ssems = list(scratch[2 + 2 * _NBUF:2 + 3 * _NBUF])
        c = lax.axis_index("c")
        s = lax.axis_index("s")
        wid = s * _NC + c
        base = wid * _BPW

        pltpu.sync_copy(table_hbm.at[pl.ds(s * _RPT, _RPT)],
                        tbl_sh.at[pl.ds(s * _RPT, _RPT)])

        @pl.when(s == 0)
        def _stage_tail():
            pltpu.sync_copy(table_hbm.at[pl.ds(_NS * _RPT, _RPT_REM)],
                            tbl_sh.at[pl.ds(_NS * _RPT, _RPT_REM)])
        pltpu.sync_copy(idx_hbm.at[pl.ds(base, _BPW)], idx_v)
        plsc.subcore_barrier()

        def gather(off, b):
            return pltpu.async_copy(
                tbl_sh.at[idx_v.at[pl.ds(off, _CHUNK)]], bufs[b], gsems[b])

        def store(off, b):
            return pltpu.async_copy(
                bufs[b], out_hbm.at[pl.ds(base + off, _CHUNK)], ssems[b])

        def store_wait(b):
            pltpu.make_async_copy(
                bufs[b], out_hbm.at[pl.ds(base, _CHUNK)], ssems[b]).wait()

        prime = [gather(b * _CHUNK, b) for b in range(_NBUF)]
        for b in range(_NBUF):
            prime[b].wait()
            store(b * _CHUNK, b)

        def body(j, carry):
            handles = []
            for b in range(_NBUF):
                off = (_NBUF * j + b) * _CHUNK
                store_wait(b)
                handles.append(gather(off, b))
            for b in range(_NBUF):
                off = (_NBUF * j + b) * _CHUNK
                handles[b].wait()
                store(off, b)
            return carry

        lax.fori_loop(1, _NGROUPS, body, 0)

        left = []
        for b in range(_NLEFT):
            off = (_NGROUPS * _NBUF + b) * _CHUNK
            store_wait(b)
            left.append(gather(off, b))
        for b in range(_NLEFT):
            off = (_NGROUPS * _NBUF + b) * _CHUNK
            left[b].wait()
            store(off, b)

        if _TAIL:
            tb = _NLEFT
            ot = _NFULL * _CHUNK
            store_wait(tb)
            pltpu.async_copy(
                tbl_sh.at[idx_v.at[pl.ds(ot, _TAIL)]],
                bufs[tb].at[pl.ds(0, _TAIL)], gsems[tb]).wait()
            pltpu.sync_copy(bufs[tb].at[pl.ds(0, _TAIL)],
                            out_hbm.at[pl.ds(base + ot, _TAIL)])

        for b in range(_NBUF):
            if _TAIL and b == _NLEFT:
                continue
            store_wait(b)

    return k(sig_table, idx)


def kernel(X, Y, gate_theta):
    sig_table = _sigmoid_table(gate_theta)
    idx = Y.astype(jnp.int32)
    return _gather(sig_table, idx)

# --- scband reference (transcript-rebuilt; emitter-appended) ---
"""Pipeline reference for scband-pleasing-32049045963203 (READ-ONLY COPY).

The authoritative reference and input builder live on the scoring server;
editing this copy changes nothing except your own understanding.
"""

import jax, jax.numpy as jnp
import numpy as np
import math

NUM_E = 10000
H_DIM = 128
N_EDGES = 320000

def setup_inputs(seed: int = 0) -> dict:
    key = jax.random.key(seed)
    k1, k2, k3 = jax.random.split(key, 3)
    X = jax.random.normal(k1, (N_EDGES, H_DIM), dtype=jnp.float32)
    Y = jax.random.randint(k2, (N_EDGES,), 0, NUM_E, dtype=jnp.int64)
    # xavier_uniform init for gate_theta [num_e, h_dim]
    limit = math.sqrt(6.0 / (NUM_E + H_DIM))
    gate_theta = jax.random.uniform(k3, (NUM_E, H_DIM), minval=-limit, maxval=limit, dtype=jnp.float32)
    return {"X": X, "Y": Y, "gate_theta": gate_theta}

def reference(X, Y, gate_theta):
    # ConcurrentGating.forward: gate = sigmoid(gate_theta[Y]); X (LSTM output) is
    # accepted per the original signature but not used in the computation.
    gate = jax.nn.sigmoid(jnp.take(gate_theta, Y, axis=0))
    return gate

if __name__ == "__main__":
    import jax
    _d = setup_inputs()
    print(jax.jit(kernel)(*tuple(_d.values())))

</pallas_src>

<mosaic_0001>
#map = affine_map<(d0, d1) -> (0, 0)>
#map1 = affine_map<(d0, d1) -> (0)>
module attributes {stable_mosaic.version = 14 : i64} {
  func.func @k(%arg0: i32, %arg1: i32, %arg2: memref<10000x128xf32, #tpu.memory_space<hbm>>, %arg3: memref<320000xi32, #tpu.memory_space<hbm>>, %arg4: memref<320000x128xf32, #tpu.memory_space<hbm>>, %arg5: memref<10000xi32, #tpu.memory_space<vmem>>, %arg6: memref<40x128xf32, #tpu.memory_space<vmem>>, %arg7: memref<40x128xf32, #tpu.memory_space<vmem>>, %arg8: memref<40x128xf32, #tpu.memory_space<vmem>>, %arg9: memref<40x128xf32, #tpu.memory_space<vmem>>, %arg10: memref<40x128xf32, #tpu.memory_space<vmem>>, %arg11: memref<40x128xf32, #tpu.memory_space<vmem>>, %arg12: memref<40x128xf32, #tpu.memory_space<vmem>>, %arg13: memref<40x128xf32, #tpu.memory_space<vmem>>, %arg14: memref<10000x128xf32, #tpu.memory_space<vmem_shared>>, %arg15: memref<!tpu.dma_semaphore, #tpu.memory_space<semaphore_mem>>, %arg16: memref<!tpu.dma_semaphore, #tpu.memory_space<semaphore_mem>>, %arg17: memref<!tpu.dma_semaphore, #tpu.memory_space<semaphore_mem>>, %arg18: memref<!tpu.dma_semaphore, #tpu.memory_space<semaphore_mem>>, %arg19: memref<!tpu.dma_semaphore, #tpu.memory_space<semaphore_mem>>, %arg20: memref<!tpu.dma_semaphore, #tpu.memory_space<semaphore_mem>>, %arg21: memref<!tpu.dma_semaphore, #tpu.memory_space<semaphore_mem>>, %arg22: memref<!tpu.dma_semaphore, #tpu.memory_space<semaphore_mem>>, %arg23: memref<!tpu.dma_semaphore, #tpu.memory_space<semaphore_mem>>, %arg24: memref<!tpu.dma_semaphore, #tpu.memory_space<semaphore_mem>>, %arg25: memref<!tpu.dma_semaphore, #tpu.memory_space<semaphore_mem>>, %arg26: memref<!tpu.dma_semaphore, #tpu.memory_space<semaphore_mem>>, %arg27: memref<!tpu.dma_semaphore, #tpu.memory_space<semaphore_mem>>, %arg28: memref<!tpu.dma_semaphore, #tpu.memory_space<semaphore_mem>>, %arg29: memref<!tpu.dma_semaphore, #tpu.memory_space<semaphore_mem>>, %arg30: memref<!tpu.dma_semaphore, #tpu.memory_space<semaphore_mem>>) attributes {dimension_semantics = [#tpu.dimension_semantics<core_parallel>, #tpu.dimension_semantics<subcore_parallel>], iteration_bounds = array<i64: 2, 16>, scalar_prefetch = 0 : i64, scratch_operands = 26 : i64, tpu.core_type = #tpu.core_type<sc_vector_subcore>, window_params = [{transform_indices = #map}, {transform_indices = #map1}, {transform_indices = #map}]} {
    %mul3A = arith.constant 2 : i32
    %mul3A_0 = arith.muli %arg1, %mul3A : i32
    %add3A = arith.addi %mul3A_0, %arg0 : i32
    %mul3A_1 = arith.constant 10000 : i32
    %mul3A_2 = arith.muli %add3A, %mul3A_1 : i32
    %mul3A_3 = arith.constant 624 : i32
    %mul3A_4 = arith.muli %arg1, %mul3A_3 : i32
    %mul3A_5 = arith.constant 624 : i32
    %mul3A_6 = arith.muli %arg1, %mul3A_5 : i32
    "tpu.region"() ({
      %run_scoped3A = tpu.sem_alloc : memref<!tpu.dma_semaphore, #tpu.memory_space<semaphore_mem>>
      %dma_start3A_212 = arith.constant 0 : i32
      %dma_start3A_213 = tpu.memref_slice %arg14[%mul3A_6, %dma_start3A_212] : memref<10000x128xf32, #tpu.memory_space<vmem_shared>> -> memref<624x128xf32, #tpu.memory_space<vmem_shared>>
      %dma_start3A_214 = arith.constant 0 : i32
      %dma_start3A_215 = tpu.memref_slice %arg2[%mul3A_4, %dma_start3A_214] : memref<10000x128xf32, #tpu.memory_space<hbm>> -> memref<624x128xf32, #tpu.memory_space<hbm>>
      tpu.enqueue_dma source(%dma_start3A_215 : memref<624x128xf32, #tpu.memory_space<hbm>>) target(%dma_start3A_213 : memref<624x128xf32, #tpu.memory_space<vmem_shared>>) target_semaphore(%run_scoped3A : memref<!tpu.dma_semaphore, #tpu.memory_space<semaphore_mem>>)
      %dma_wait3A_216 = arith.constant 0 : i32
      %dma_wait3A_217 = tpu.memref_slice %arg14[%mul3A_6, %dma_wait3A_216] : memref<10000x128xf32, #tpu.memory_space<vmem_shared>> -> memref<624x128xf32, #tpu.memory_space<vmem_shared>>
      %dma_wait3A_218 = arith.constant 0 : i32
      %dma_wait3A_219 = tpu.memref_slice %arg2[%mul3A_4, %dma_wait3A_218] : memref<10000x128xf32, #tpu.memory_space<hbm>> -> memref<624x128xf32, #tpu.memory_space<hbm>>
      tpu.wait_dma2 semaphore(%run_scoped3A : memref<!tpu.dma_semaphore, #tpu.memory_space<semaphore_mem>>) src(%dma_wait3A_219 : memref<624x128xf32, #tpu.memory_space<hbm>>) dst(%dma_wait3A_217 : memref<624x128xf32, #tpu.memory_space<vmem_shared>>)
      tpu.yield
    }) : () -> ()
    %eq3A = arith.constant 0 : i32
    %eq3A_7 = arith.cmpi eq, %arg1, %eq3A : i32
    %convert_element_type3A = arith.extui %eq3A_7 : i1 to i32
    %cond3A = arith.constant 0 : i32
    %cond3A_8 = arith.cmpi ne, %convert_element_type3A, %cond3A : i32
    scf.if %cond3A_8 {
      "tpu.region"() ({
        %run_scoped3A = tpu.sem_alloc : memref<!tpu.dma_semaphore, #tpu.memory_space<semaphore_mem>>
        %dma_start3A_212 = arith.constant 9984 : i32
        %dma_start3A_213 = arith.constant 0 : i32
        %dma_start3A_214 = tpu.memref_slice %arg14[%dma_start3A_212, %dma_start3A_213] : memref<10000x128xf32, #tpu.memory_space<vmem_shared>> -> memref<16x128xf32, #tpu.memory_space<vmem_shared>>
        %dma_start3A_215 = arith.constant 9984 : i32
        %dma_start3A_216 = arith.constant 0 : i32
        %dma_start3A_217 = tpu.memref_slice %arg2[%dma_start3A_215, %dma_start3A_216] : memref<10000x128xf32, #tpu.memory_space<hbm>> -> memref<16x128xf32, #tpu.memory_space<hbm>>
        tpu.enqueue_dma source(%dma_start3A_217 : memref<16x128xf32, #tpu.memory_space<hbm>>) target(%dma_start3A_214 : memref<16x128xf32, #tpu.memory_space<vmem_shared>>) target_semaphore(%run_scoped3A : memref<!tpu.dma_semaphore, #tpu.memory_space<semaphore_mem>>)
        %dma_wait3A_218 = arith.constant 9984 : i32
        %dma_wait3A_219 = arith.constant 0 : i32
        %dma_wait3A_220 = tpu.memref_slice %arg14[%dma_wait3A_218, %dma_wait3A_219] : memref<10000x128xf32, #tpu.memory_space<vmem_shared>> -> memref<16x128xf32, #tpu.memory_space<vmem_shared>>
        %dma_wait3A_221 = arith.constant 9984 : i32
        %dma_wait3A_222 = arith.constant 0 : i32
        %dma_wait3A_223 = tpu.memref_slice %arg2[%dma_wait3A_221, %dma_wait3A_222] : memref<10000x128xf32, #tpu.memory_space<hbm>> -> memref<16x128xf32, #tpu.memory_space<hbm>>
        tpu.wait_dma2 semaphore(%run_scoped3A : memref<!tpu.dma_semaphore, #tpu.memory_space<semaphore_mem>>) src(%dma_wait3A_223 : memref<16x128xf32, #tpu.memory_space<hbm>>) dst(%dma_wait3A_220 : memref<16x128xf32, #tpu.memory_space<vmem_shared>>)
        tpu.yield
      }) : () -> ()
    } else {
    }
    "tpu.region"() ({
      %run_scoped3A = tpu.sem_alloc : memref<!tpu.dma_semaphore, #tpu.memory_space<semaphore_mem>>
      %dma_start3A_212 = tpu.memref_slice %arg3[%mul3A_2] : memref<320000xi32, #tpu.memory_space<hbm>> -> memref<10000xi32, #tpu.memory_space<hbm>>
      %dma_start3A_213 = tpu.memref_slice %arg3[%mul3A_2] : memref<320000xi32, #tpu.memory_space<hbm>> -> memref<10000xi32, #tpu.memory_space<hbm>>
      tpu.enqueue_dma source(%dma_start3A_213 : memref<10000xi32, #tpu.memory_space<hbm>>) target(%arg5 : memref<10000xi32, #tpu.memory_space<vmem>>) target_semaphore(%run_scoped3A : memref<!tpu.dma_semaphore, #tpu.memory_space<semaphore_mem>>)
      %dma_wait3A_214 = tpu.memref_slice %arg3[%mul3A_2] : memref<320000xi32, #tpu.memory_space<hbm>> -> memref<10000xi32, #tpu.memory_space<hbm>>
      %dma_wait3A_215 = tpu.memref_slice %arg3[%mul3A_2] : memref<320000xi32, #tpu.memory_space<hbm>> -> memref<10000xi32, #tpu.memory_space<hbm>>
      tpu.wait_dma2 semaphore(%run_scoped3A : memref<!tpu.dma_semaphore, #tpu.memory_space<semaphore_mem>>) src(%dma_wait3A_215 : memref<10000xi32, #tpu.memory_space<hbm>>) dst(%arg5 : memref<10000xi32, #tpu.memory_space<vmem>>)
      tpu.yield
    }) : () -> ()
    %barrier3A = arith.constant 0 : index
    tpu.barrier barrier_id(%barrier3A)
    %dma_start3A = arith.constant 0 : i32
    %dma_start3A_9 = tpu.memref_slice %arg5[%dma_start3A] : memref<10000xi32, #tpu.memory_space<vmem>> -> memref<40xi32, #tpu.memory_space<vmem>>
    %dma_start3A_10 = arith.constant 0 : i32
    %dma_start3A_11 = arith.constant 0 : i32
    %dma_start3A_12 = tpu.memref_slice %arg14[%dma_start3A_10, %dma_start3A_11] : memref<10000x128xf32, #tpu.memory_space<vmem_shared>> -> memref<10000x128xf32, #tpu.memory_space<vmem_shared>>
    tpu.enqueue_indirect_dma source(%dma_start3A_12 : memref<10000x128xf32, #tpu.memory_space<vmem_shared>>) target(%arg6 : memref<40x128xf32, #tpu.memory_space<vmem>>) offsets(%dma_start3A_9 : memref<40xi32, #tpu.memory_space<vmem>>) semaphore(%arg15 : memref<!tpu.dma_semaphore, #tpu.memory_space<semaphore_mem>>)
    %dma_start3A_13 = arith.constant 40 : i32
    %dma_start3A_14 = tpu.memref_slice %arg5[%dma_start3A_13] : memref<10000xi32, #tpu.memory_space<vmem>> -> memref<40xi32, #tpu.memory_space<vmem>>
    %dma_start3A_15 = arith.constant 0 : i32
    %dma_start3A_16 = arith.constant 0 : i32
    %dma_start3A_17 = tpu.memref_slice %arg14[%dma_start3A_15, %dma_start3A_16] : memref<10000x128xf32, #tpu.memory_space<vmem_shared>> -> memref<10000x128xf32, #tpu.memory_space<vmem_shared>>
    tpu.enqueue_indirect_dma source(%dma_start3A_17 : memref<10000x128xf32, #tpu.memory_space<vmem_shared>>) target(%arg7 : memref<40x128xf32, #tpu.memory_space<vmem>>) offsets(%dma_start3A_14 : memref<40xi32, #tpu.memory_space<vmem>>) semaphore(%arg16 : memref<!tpu.dma_semaphore, #tpu.memory_space<semaphore_mem>>)
    %dma_start3A_18 = arith.constant 80 : i32
    %dma_start3A_19 = tpu.memref_slice %arg5[%dma_start3A_18] : memref<10000xi32, #tpu.memory_space<vmem>> -> memref<40xi32, #tpu.memory_space<vmem>>
    %dma_start3A_20 = arith.constant 0 : i32
    %dma_start3A_21 = arith.constant 0 : i32
    %dma_start3A_22 = tpu.memref_slice %arg14[%dma_start3A_20, %dma_start3A_21] : memref<10000x128xf32, #tpu.memory_space<vmem_shared>> -> memref<10000x128xf32, #tpu.memory_space<vmem_shared>>
    tpu.enqueue_indirect_dma source(%dma_start3A_22 : memref<10000x128xf32, #tpu.memory_space<vmem_shared>>) target(%arg8 : memref<40x128xf32, #tpu.memory_space<vmem>>) offsets(%dma_start3A_19 : memref<40xi32, #tpu.memory_space<vmem>>) semaphore(%arg17 : memref<!tpu.dma_semaphore, #tpu.memory_space<semaphore_mem>>)
    %dma_start3A_23 = arith.constant 120 : i32
    %dma_start3A_24 = tpu.memref_slice %arg5[%dma_start3A_23] : memref<10000xi32, #tpu.memory_space<vmem>> -> memref<40xi32, #tpu.memory_space<vmem>>
    %dma_start3A_25 = arith.constant 0 : i32
    %dma_start3A_26 = arith.constant 0 : i32
    %dma_start3A_27 = tpu.memref_slice %arg14[%dma_start3A_25, %dma_start3A_26] : memref<10000x128xf32, #tpu.memory_space<vmem_shared>> -> memref<10000x128xf32, #tpu.memory_space<vmem_shared>>
    tpu.enqueue_indirect_dma source(%dma_start3A_27 : memref<10000x128xf32, #tpu.memory_space<vmem_shared>>) target(%arg9 : memref<40x128xf32, #tpu.memory_space<vmem>>) offsets(%dma_start3A_24 : memref<40xi32, #tpu.memory_space<vmem>>) semaphore(%arg18 : memref<!tpu.dma_semaphore, #tpu.memory_space<semaphore_mem>>)
    %dma_start3A_28 = arith.constant 160 : i32
    %dma_start3A_29 = tpu.memref_slice %arg5[%dma_start3A_28] : memref<10000xi32, #tpu.memory_space<vmem>> -> memref<40xi32, #tpu.memory_space<vmem>>
    %dma_start3A_30 = arith.constant 0 : i32
    %dma_start3A_31 = arith.constant 0 : i32
    %dma_start3A_32 = tpu.memref_slice %arg14[%dma_start3A_30, %dma_start3A_31] : memref<10000x128xf32, #tpu.memory_space<vmem_shared>> -> memref<10000x128xf32, #tpu.memory_space<vmem_shared>>
    tpu.enqueue_indirect_dma source(%dma_start3A_32 : memref<10000x128xf32, #tpu.memory_space<vmem_shared>>) target(%arg10 : memref<40x128xf32, #tpu.memory_space<vmem>>) offsets(%dma_start3A_29 : memref<40xi32, #tpu.memory_space<vmem>>) semaphore(%arg19 : memref<!tpu.dma_semaphore, #tpu.memory_space<semaphore_mem>>)
    %dma_start3A_33 = arith.constant 200 : i32
    %dma_start3A_34 = tpu.memref_slice %arg5[%dma_start3A_33] : memref<10000xi32, #tpu.memory_space<vmem>> -> memref<40xi32, #tpu.memory_space<vmem>>
    %dma_start3A_35 = arith.constant 0 : i32
    %dma_start3A_36 = arith.constant 0 : i32
    %dma_start3A_37 = tpu.memref_slice %arg14[%dma_start3A_35, %dma_start3A_36] : memref<10000x128xf32, #tpu.memory_space<vmem_shared>> -> memref<10000x128xf32, #tpu.memory_space<vmem_shared>>
    tpu.enqueue_indirect_dma source(%dma_start3A_37 : memref<10000x128xf32, #tpu.memory_space<vmem_shared>>) target(%arg11 : memref<40x128xf32, #tpu.memory_space<vmem>>) offsets(%dma_start3A_34 : memref<40xi32, #tpu.memory_space<vmem>>) semaphore(%arg20 : memref<!tpu.dma_semaphore, #tpu.memory_space<semaphore_mem>>)
    %dma_start3A_38 = arith.constant 240 : i32
    %dma_start3A_39 = tpu.memref_slice %arg5[%dma_start3A_38] : memref<10000xi32, #tpu.memory_space<vmem>> -> memref<40xi32, #tpu.memory_space<vmem>>
    %dma_start3A_40 = arith.constant 0 : i32
    %dma_start3A_41 = arith.constant 0 : i32
    %dma_start3A_42 = tpu.memref_slice %arg14[%dma_start3A_40, %dma_start3A_41] : memref<10000x128xf32, #tpu.memory_space<vmem_shared>> -> memref<10000x128xf32, #tpu.memory_space<vmem_shared>>
    tpu.enqueue_indirect_dma source(%dma_start3A_42 : memref<10000x128xf32, #tpu.memory_space<vmem_shared>>) target(%arg12 : memref<40x128xf32, #tpu.memory_space<vmem>>) offsets(%dma_start3A_39 : memref<40xi32, #tpu.memory_space<vmem>>) semaphore(%arg21 : memref<!tpu.dma_semaphore, #tpu.memory_space<semaphore_mem>>)
    %dma_start3A_43 = arith.constant 280 : i32
    %dma_start3A_44 = tpu.memref_slice %arg5[%dma_start3A_43] : memref<10000xi32, #tpu.memory_space<vmem>> -> memref<40xi32, #tpu.memory_space<vmem>>
    %dma_start3A_45 = arith.constant 0 : i32
    %dma_start3A_46 = arith.constant 0 : i32
    %dma_start3A_47 = tpu.memref_slice %arg14[%dma_start3A_45, %dma_start3A_46] : memref<10000x128xf32, #tpu.memory_space<vmem_shared>> -> memref<10000x128xf32, #tpu.memory_space<vmem_shared>>
    tpu.enqueue_indirect_dma source(%dma_start3A_47 : memref<10000x128xf32, #tpu.memory_space<vmem_shared>>) target(%arg13 : memref<40x128xf32, #tpu.memory_space<vmem>>) offsets(%dma_start3A_44 : memref<40xi32, #tpu.memory_space<vmem>>) semaphore(%arg22 : memref<!tpu.dma_semaphore, #tpu.memory_space<semaphore_mem>>)
    %dma_wait3A = arith.constant 0 : i32
    %dma_wait3A_48 = tpu.memref_slice %arg5[%dma_wait3A] : memref<10000xi32, #tpu.memory_space<vmem>> -> memref<40xi32, #tpu.memory_space<vmem>>
    %dma_wait3A_49 = arith.constant 0 : i32
    %dma_wait3A_50 = arith.constant 0 : i32
    %dma_wait3A_51 = tpu.memref_slice %arg14[%dma_wait3A_49, %dma_wait3A_50] : memref<10000x128xf32, #tpu.memory_space<vmem_shared>> -> memref<10000x128xf32, #tpu.memory_space<vmem_shared>>
    tpu.wait_indirect_dma semaphore(%arg15 : memref<!tpu.dma_semaphore, #tpu.memory_space<semaphore_mem>>) src(%dma_wait3A_51 : memref<10000x128xf32, #tpu.memory_space<vmem_shared>>) dst(%arg6 : memref<40x128xf32, #tpu.memory_space<vmem>>)
    %add3A_52 = arith.constant 0 : i32
    %add3A_53 = arith.addi %mul3A_2, %add3A_52 : i32
    %dma_start3A_54 = arith.constant 0 : i32
    %dma_start3A_55 = tpu.memref_slice %arg4[%add3A_53, %dma_start3A_54] : memref<320000x128xf32, #tpu.memory_space<hbm>> -> memref<40x128xf32, #tpu.memory_space<hbm>>
    %dma_start3A_56 = arith.constant 0 : i32
    %dma_start3A_57 = tpu.memref_slice %arg4[%add3A_53, %dma_start3A_56] : memref<320000x128xf32, #tpu.memory_space<hbm>> -> memref<40x128xf32, #tpu.memory_space<hbm>>
    tpu.enqueue_dma source(%arg6 : memref<40x128xf32, #tpu.memory_space<vmem>>) target(%dma_start3A_57 : memref<40x128xf32, #tpu.memory_space<hbm>>) target_semaphore(%arg23 : memref<!tpu.dma_semaphore, #tpu.memory_space<semaphore_mem>>)
    %dma_wait3A_58 = arith.constant 40 : i32
    %dma_wait3A_59 = tpu.memref_slice %arg5[%dma_wait3A_58] : memref<10000xi32, #tpu.memory_space<vmem>> -> memref<40xi32, #tpu.memory_space<vmem>>
    %dma_wait3A_60 = arith.constant 0 : i32
    %dma_wait3A_61 = arith.constant 0 : i32
    %dma_wait3A_62 = tpu.memref_slice %arg14[%dma_wait3A_60, %dma_wait3A_61] : memref<10000x128xf32, #tpu.memory_space<vmem_shared>> -> memref<10000x128xf32, #tpu.memory_space<vmem_shared>>
    tpu.wait_indirect_dma semaphore(%arg16 : memref<!tpu.dma_semaphore, #tpu.memory_space<semaphore_mem>>) src(%dma_wait3A_62 : memref<10000x128xf32, #tpu.memory_space<vmem_shared>>) dst(%arg7 : memref<40x128xf32, #tpu.memory_space<vmem>>)
    %add3A_63 = arith.constant 40 : i32
    %add3A_64 = arith.addi %mul3A_2, %add3A_63 : i32
    %dma_start3A_65 = arith.constant 0 : i32
    %dma_start3A_66 = tpu.memref_slice %arg4[%add3A_64, %dma_start3A_65] : memref<320000x128xf32, #tpu.memory_space<hbm>> -> memref<40x128xf32, #tpu.memory_space<hbm>>
    %dma_start3A_67 = arith.constant 0 : i32
    %dma_start3A_68 = tpu.memref_slice %arg4[%add3A_64, %dma_start3A_67] : memref<320000x128xf32, #tpu.memory_space<hbm>> -> memref<40x128xf32, #tpu.memory_space<hbm>>
    tpu.enqueue_dma source(%arg7 : memref<40x128xf32, #tpu.memory_space<vmem>>) target(%dma_start3A_68 : memref<40x128xf32, #tpu.memory_space<hbm>>) target_semaphore(%arg24 : memref<!tpu.dma_semaphore, #tpu.memory_space<semaphore_mem>>)
    %dma_wait3A_69 = arith.constant 80 : i32
    %dma_wait3A_70 = tpu.memref_slice %arg5[%dma_wait3A_69] : memref<10000xi32, #tpu.memory_space<vmem>> -> memref<40xi32, #tpu.memory_space<vmem>>
    %dma_wait3A_71 = arith.constant 0 : i32
    %dma_wait3A_72 = arith.constant 0 : i32
    %dma_wait3A_73 = tpu.memref_slice %arg14[%dma_wait3A_71, %dma_wait3A_72] : memref<10000x128xf32, #tpu.memory_space<vmem_shared>> -> memref<10000x128xf32, #tpu.memory_space<vmem_shared>>
    tpu.wait_indirect_dma semaphore(%arg17 : memref<!tpu.dma_semaphore, #tpu.memory_space<semaphore_mem>>) src(%dma_wait3A_73 : memref<10000x128xf32, #tpu.memory_space<vmem_shared>>) dst(%arg8 : memref<40x128xf32, #tpu.memory_space<vmem>>)
    %add3A_74 = arith.constant 80 : i32
    %add3A_75 = arith.addi %mul3A_2, %add3A_74 : i32
    %dma_start3A_76 = arith.constant 0 : i32
    %dma_start3A_77 = tpu.memref_slice %arg4[%add3A_75, %dma_start3A_76] : memref<320000x128xf32, #tpu.memory_space<hbm>> -> memref<40x128xf32, #tpu.memory_space<hbm>>
    %dma_start3A_78 = arith.constant 0 : i32
    %dma_start3A_79 = tpu.memref_slice %arg4[%add3A_75, %dma_start3A_78] : memref<320000x128xf32, #tpu.memory_space<hbm>> -> memref<40x128xf32, #tpu.memory_space<hbm>>
    tpu.enqueue_dma source(%arg8 : memref<40x128xf32, #tpu.memory_space<vmem>>) target(%dma_start3A_79 : memref<40x128xf32, #tpu.memory_space<hbm>>) target_semaphore(%arg25 : memref<!tpu.dma_semaphore, #tpu.memory_space<semaphore_mem>>)
    %dma_wait3A_80 = arith.constant 120 : i32
    %dma_wait3A_81 = tpu.memref_slice %arg5[%dma_wait3A_80] : memref<10000xi32, #tpu.memory_space<vmem>> -> memref<40xi32, #tpu.memory_space<vmem>>
    %dma_wait3A_82 = arith.constant 0 : i32
    %dma_wait3A_83 = arith.constant 0 : i32
    %dma_wait3A_84 = tpu.memref_slice %arg14[%dma_wait3A_82, %dma_wait3A_83] : memref<10000x128xf32, #tpu.memory_space<vmem_shared>> -> memref<10000x128xf32, #tpu.memory_space<vmem_shared>>
    tpu.wait_indirect_dma semaphore(%arg18 : memref<!tpu.dma_semaphore, #tpu.memory_space<semaphore_mem>>) src(%dma_wait3A_84 : memref<10000x128xf32, #tpu.memory_space<vmem_shared>>) dst(%arg9 : memref<40x128xf32, #tpu.memory_space<vmem>>)
    %add3A_85 = arith.constant 120 : i32
    %add3A_86 = arith.addi %mul3A_2, %add3A_85 : i32
    %dma_start3A_87 = arith.constant 0 : i32
    %dma_start3A_88 = tpu.memref_slice %arg4[%add3A_86, %dma_start3A_87] : memref<320000x128xf32, #tpu.memory_space<hbm>> -> memref<40x128xf32, #tpu.memory_space<hbm>>
    %dma_start3A_89 = arith.constant 0 : i32
    %dma_start3A_90 = tpu.memref_slice %arg4[%add3A_86, %dma_start3A_89] : memref<320000x128xf32, #tpu.memory_space<hbm>> -> memref<40x128xf32, #tpu.memory_space<hbm>>
    tpu.enqueue_dma source(%arg9 : memref<40x128xf32, #tpu.memory_space<vmem>>) target(%dma_start3A_90 : memref<40x128xf32, #tpu.memory_space<hbm>>) target_semaphore(%arg26 : memref<!tpu.dma_semaphore, #tpu.memory_space<semaphore_mem>>)
    %dma_wait3A_91 = arith.constant 160 : i32
    %dma_wait3A_92 = tpu.memref_slice %arg5[%dma_wait3A_91] : memref<10000xi32, #tpu.memory_space<vmem>> -> memref<40xi32, #tpu.memory_space<vmem>>
    %dma_wait3A_93 = arith.constant 0 : i32
    %dma_wait3A_94 = arith.constant 0 : i32
    %dma_wait3A_95 = tpu.memref_slice %arg14[%dma_wait3A_93, %dma_wait3A_94] : memref<10000x128xf32, #tpu.memory_space<vmem_shared>> -> memref<10000x128xf32, #tpu.memory_space<vmem_shared>>
    tpu.wait_indirect_dma semaphore(%arg19 : memref<!tpu.dma_semaphore, #tpu.memory_space<semaphore_mem>>) src(%dma_wait3A_95 : memref<10000x128xf32, #tpu.memory_space<vmem_shared>>) dst(%arg10 : memref<40x128xf32, #tpu.memory_space<vmem>>)
    %add3A_96 = arith.constant 160 : i32
    %add3A_97 = arith.addi %mul3A_2, %add3A_96 : i32
    %dma_start3A_98 = arith.constant 0 : i32
    %dma_start3A_99 = tpu.memref_slice %arg4[%add3A_97, %dma_start3A_98] : memref<320000x128xf32, #tpu.memory_space<hbm>> -> memref<40x128xf32, #tpu.memory_space<hbm>>
    %dma_start3A_100 = arith.constant 0 : i32
    %dma_start3A_101 = tpu.memref_slice %arg4[%add3A_97, %dma_start3A_100] : memref<320000x128xf32, #tpu.memory_space<hbm>> -> memref<40x128xf32, #tpu.memory_space<hbm>>
    tpu.enqueue_dma source(%arg10 : memref<40x128xf32, #tpu.memory_space<vmem>>) target(%dma_start3A_101 : memref<40x128xf32, #tpu.memory_space<hbm>>) target_semaphore(%arg27 : memref<!tpu.dma_semaphore, #tpu.memory_space<semaphore_mem>>)
    %dma_wait3A_102 = arith.constant 200 : i32
    %dma_wait3A_103 = tpu.memref_slice %arg5[%dma_wait3A_102] : memref<10000xi32, #tpu.memory_space<vmem>> -> memref<40xi32, #tpu.memory_space<vmem>>
    %dma_wait3A_104 = arith.constant 0 : i32
    %dma_wait3A_105 = arith.constant 0 : i32
    %dma_wait3A_106 = tpu.memref_slice %arg14[%dma_wait3A_104, %dma_wait3A_105] : memref<10000x128xf32, #tpu.memory_space<vmem_shared>> -> memref<10000x128xf32, #tpu.memory_space<vmem_shared>>
    tpu.wait_indirect_dma semaphore(%arg20 : memref<!tpu.dma_semaphore, #tpu.memory_space<semaphore_mem>>) src(%dma_wait3A_106 : memref<10000x128xf32, #tpu.memory_space<vmem_shared>>) dst(%arg11 : memref<40x128xf32, #tpu.memory_space<vmem>>)
    %add3A_107 = arith.constant 200 : i32
    %add3A_108 = arith.addi %mul3A_2, %add3A_107 : i32
    %dma_start3A_109 = arith.constant 0 : i32
    %dma_start3A_110 = tpu.memref_slice %arg4[%add3A_108, %dma_start3A_109] : memref<320000x128xf32, #tpu.memory_space<hbm>> -> memref<40x128xf32, #tpu.memory_space<hbm>>
    %dma_start3A_111 = arith.constant 0 : i32
    %dma_start3A_112 = tpu.memref_slice %arg4[%add3A_108, %dma_start3A_111] : memref<320000x128xf32, #tpu.memory_space<hbm>> -> memref<40x128xf32, #tpu.memory_space<hbm>>
    tpu.enqueue_dma source(%arg11 : memref<40x128xf32, #tpu.memory_space<vmem>>) target(%dma_start3A_112 : memref<40x128xf32, #tpu.memory_space<hbm>>) target_semaphore(%arg28 : memref<!tpu.dma_semaphore, #tpu.memory_space<semaphore_mem>>)
    %dma_wait3A_113 = arith.constant 240 : i32
    %dma_wait3A_114 = tpu.memref_slice %arg5[%dma_wait3A_113] : memref<10000xi32, #tpu.memory_space<vmem>> -> memref<40xi32, #tpu.memory_space<vmem>>
    %dma_wait3A_115 = arith.constant 0 : i32
    %dma_wait3A_116 = arith.constant 0 : i32
    %dma_wait3A_117 = tpu.memref_slice %arg14[%dma_wait3A_115, %dma_wait3A_116] : memref<10000x128xf32, #tpu.memory_space<vmem_shared>> -> memref<10000x128xf32, #tpu.memory_space<vmem_shared>>
    tpu.wait_indirect_dma semaphore(%arg21 : memref<!tpu.dma_semaphore, #tpu.memory_space<semaphore_mem>>) src(%dma_wait3A_117 : memref<10000x128xf32, #tpu.memory_space<vmem_shared>>) dst(%arg12 : memref<40x128xf32, #tpu.memory_space<vmem>>)
    %add3A_118 = arith.constant 240 : i32
    %add3A_119 = arith.addi %mul3A_2, %add3A_118 : i32
    %dma_start3A_120 = arith.constant 0 : i32
    %dma_start3A_121 = tpu.memref_slice %arg4[%add3A_119, %dma_start3A_120] : memref<320000x128xf32, #tpu.memory_space<hbm>> -> memref<40x128xf32, #tpu.memory_space<hbm>>
    %dma_start3A_122 = arith.constant 0 : i32
    %dma_start3A_123 = tpu.memref_slice %arg4[%add3A_119, %dma_start3A_122] : memref<320000x128xf32, #tpu.memory_space<hbm>> -> memref<40x128xf32, #tpu.memory_space<hbm>>
    tpu.enqueue_dma source(%arg12 : memref<40x128xf32, #tpu.memory_space<vmem>>) target(%dma_start3A_123 : memref<40x128xf32, #tpu.memory_space<hbm>>) target_semaphore(%arg29 : memref<!tpu.dma_semaphore, #tpu.memory_space<semaphore_mem>>)
    %dma_wait3A_124 = arith.constant 280 : i32
    %dma_wait3A_125 = tpu.memref_slice %arg5[%dma_wait3A_124] : memref<10000xi32, #tpu.memory_space<vmem>> -> memref<40xi32, #tpu.memory_space<vmem>>
    %dma_wait3A_126 = arith.constant 0 : i32
    %dma_wait3A_127 = arith.constant 0 : i32
    %dma_wait3A_128 = tpu.memref_slice %arg14[%dma_wait3A_126, %dma_wait3A_127] : memref<10000x128xf32, #tpu.memory_space<vmem_shared>> -> memref<10000x128xf32, #tpu.memory_space<vmem_shared>>
    tpu.wait_indirect_dma semaphore(%arg22 : memref<!tpu.dma_semaphore, #tpu.memory_space<semaphore_mem>>) src(%dma_wait3A_128 : memref<10000x128xf32, #tpu.memory_space<vmem_shared>>) dst(%arg13 : memref<40x128xf32, #tpu.memory_space<vmem>>)
    %add3A_129 = arith.constant 280 : i32
    %add3A_130 = arith.addi %mul3A_2, %add3A_129 : i32
    %dma_start3A_131 = arith.constant 0 : i32
    %dma_start3A_132 = tpu.memref_slice %arg4[%add3A_130, %dma_start3A_131] : memref<320000x128xf32, #tpu.memory_space<hbm>> -> memref<40x128xf32, #tpu.memory_space<hbm>>
    %dma_start3A_133 = arith.constant 0 : i32
    %dma_start3A_134 = tpu.memref_slice %arg4[%add3A_130, %dma_start3A_133] : memref<320000x128xf32, #tpu.memory_space<hbm>> -> memref<40x128xf32, #tpu.memory_space<hbm>>
    tpu.enqueue_dma source(%arg13 : memref<40x128xf32, #tpu.memory_space<vmem>>) target(%dma_start3A_134 : memref<40x128xf32, #tpu.memory_space<hbm>>) target_semaphore(%arg30 : memref<!tpu.dma_semaphore, #tpu.memory_space<semaphore_mem>>)
    %scan3A = arith.constant 0 : i32
    %scan3A_135 = arith.constant 1 : i32
    %scan3A_136 = arith.constant 30 : i32
    %scan3A_137 = arith.addi %scan3A_135, %scan3A_136 : i32
    %scan3A_138 = arith.constant 1 : i32
    scf.for %scan3A_212 = %scan3A_135 to %scan3A_137 step %scan3A_138  : i32 {
      %mul3A_213 = arith.constant 8 : i32
      %mul3A_214 = arith.muli %mul3A_213, %scan3A_212 : i32
      %add3A_215 = arith.constant 0 : i32
      %add3A_216 = arith.addi %mul3A_214, %add3A_215 : i32
      %mul3A_217 = arith.constant 40 : i32
      %mul3A_218 = arith.muli %add3A_216, %mul3A_217 : i32
      %dma_wait3A_219 = arith.constant 0 : i32
      %dma_wait3A_220 = tpu.memref_slice %arg4[%mul3A_2, %dma_wait3A_219] : memref<320000x128xf32, #tpu.memory_space<hbm>> -> memref<40x128xf32, #tpu.memory_space<hbm>>
      %dma_wait3A_221 = arith.constant 0 : i32
      %dma_wait3A_222 = tpu.memref_slice %arg4[%mul3A_2, %dma_wait3A_221] : memref<320000x128xf32, #tpu.memory_space<hbm>> -> memref<40x128xf32, #tpu.memory_space<hbm>>
      tpu.wait_dma2 semaphore(%arg23 : memref<!tpu.dma_semaphore, #tpu.memory_space<semaphore_mem>>) src(%arg6 : memref<40x128xf32, #tpu.memory_space<vmem>>) dst(%dma_wait3A_222 : memref<40x128xf32, #tpu.memory_space<hbm>>)
      %dma_start3A_223 = tpu.memref_slice %arg5[%mul3A_218] : memref<10000xi32, #tpu.memory_space<vmem>> -> memref<40xi32, #tpu.memory_space<vmem>>
      %dma_start3A_224 = arith.constant 0 : i32
      %dma_start3A_225 = arith.constant 0 : i32
      %dma_start3A_226 = tpu.memref_slice %arg14[%dma_start3A_224, %dma_start3A_225] : memref<10000x128xf32, #tpu.memory_space<vmem_shared>> -> memref<10000x128xf32, #tpu.memory_space<vmem_shared>>
      tpu.enqueue_indirect_dma source(%dma_start3A_226 : memref<10000x128xf32, #tpu.memory_space<vmem_shared>>) target(%arg6 : memref<40x128xf32, #tpu.memory_space<vmem>>) offsets(%dma_start3A_223 : memref<40xi32, #tpu.memory_space<vmem>>) semaphore(%arg15 : memref<!tpu.dma_semaphore, #tpu.memory_space<semaphore_mem>>)
      %mul3A_227 = arith.constant 8 : i32
      %mul3A_228 = arith.muli %mul3A_227, %scan3A_212 : i32
      %add3A_229 = arith.constant 1 : i32
      %add3A_230 = arith.addi %mul3A_228, %add3A_229 : i32
      %mul3A_231 = arith.constant 40 : i32
      %mul3A_232 = arith.muli %add3A_230, %mul3A_231 : i32
      %dma_wait3A_233 = arith.constant 0 : i32
      %dma_wait3A_234 = tpu.memref_slice %arg4[%mul3A_2, %dma_wait3A_233] : memref<320000x128xf32, #tpu.memory_space<hbm>> -> memref<40x128xf32, #tpu.memory_space<hbm>>
      %dma_wait3A_235 = arith.constant 0 : i32
      %dma_wait3A_236 = tpu.memref_slice %arg4[%mul3A_2, %dma_wait3A_235] : memref<320000x128xf32, #tpu.memory_space<hbm>> -> memref<40x128xf32, #tpu.memory_space<hbm>>
      tpu.wait_dma2 semaphore(%arg24 : memref<!tpu.dma_semaphore, #tpu.memory_space<semaphore_mem>>) src(%arg7 : memref<40x128xf32, #tpu.memory_space<vmem>>) dst(%dma_wait3A_236 : memref<40x128xf32, #tpu.memory_space<hbm>>)
      %dma_start3A_237 = tpu.memref_slice %arg5[%mul3A_232] : memref<10000xi32, #tpu.memory_space<vmem>> -> memref<40xi32, #tpu.memory_space<vmem>>
      %dma_start3A_238 = arith.constant 0 : i32
      %dma_start3A_239 = arith.constant 0 : i32
      %dma_start3A_240 = tpu.memref_slice %arg14[%dma_start3A_238, %dma_start3A_239] : memref<10000x128xf32, #tpu.memory_space<vmem_shared>> -> memref<10000x128xf32, #tpu.memory_space<vmem_shared>>
      tpu.enqueue_indirect_dma source(%dma_start3A_240 : memref<10000x128xf32, #tpu.memory_space<vmem_shared>>) target(%arg7 : memref<40x128xf32, #tpu.memory_space<vmem>>) offsets(%dma_start3A_237 : memref<40xi32, #tpu.memory_space<vmem>>) semaphore(%arg16 : memref<!tpu.dma_semaphore, #tpu.memory_space<semaphore_mem>>)
      %mul3A_241 = arith.constant 8 : i32
      %mul3A_242 = arith.muli %mul3A_241, %scan3A_212 : i32
      %add3A_243 = arith.constant 2 : i32
      %add3A_244 = arith.addi %mul3A_242, %add3A_243 : i32
      %mul3A_245 = arith.constant 40 : i32
      %mul3A_246 = arith.muli %add3A_244, %mul3A_245 : i32
      %dma_wait3A_247 = arith.constant 0 : i32
      %dma_wait3A_248 = tpu.memref_slice %arg4[%mul3A_2, %dma_wait3A_247] : memref<320000x128xf32, #tpu.memory_space<hbm>> -> memref<40x128xf32, #tpu.memory_space<hbm>>
      %dma_wait3A_249 = arith.constant 0 : i32
      %dma_wait3A_250 = tpu.memref_slice %arg4[%mul3A_2, %dma_wait3A_249] : memref<320000x128xf32, #tpu.memory_space<hbm>> -> memref<40x128xf32, #tpu.memory_space<hbm>>
      tpu.wait_dma2 semaphore(%arg25 : memref<!tpu.dma_semaphore, #tpu.memory_space<semaphore_mem>>) src(%arg8 : memref<40x128xf32, #tpu.memory_space<vmem>>) dst(%dma_wait3A_250 : memref<40x128xf32, #tpu.memory_space<hbm>>)
      %dma_start3A_251 = tpu.memref_slice %arg5[%mul3A_246] : memref<10000xi32, #tpu.memory_space<vmem>> -> memref<40xi32, #tpu.memory_space<vmem>>
      %dma_start3A_252 = arith.constant 0 : i32
      %dma_start3A_253 = arith.constant 0 : i32
      %dma_start3A_254 = tpu.memref_slice %arg14[%dma_start3A_252, %dma_start3A_253] : memref<10000x128xf32, #tpu.memory_space<vmem_shared>> -> memref<10000x128xf32, #tpu.memory_space<vmem_shared>>
      tpu.enqueue_indirect_dma source(%dma_start3A_254 : memref<10000x128xf32, #tpu.memory_space<vmem_shared>>) target(%arg8 : memref<40x128xf32, #tpu.memory_space<vmem>>) offsets(%dma_start3A_251 : memref<40xi32, #tpu.memory_space<vmem>>) semaphore(%arg17 : memref<!tpu.dma_semaphore, #tpu.memory_space<semaphore_mem>>)
      %mul3A_255 = arith.constant 8 : i32
      %mul3A_256 = arith.muli %mul3A_255, %scan3A_212 : i32
      %add3A_257 = arith.constant 3 : i32
      %add3A_258 = arith.addi %mul3A_256, %add3A_257 : i32
      %mul3A_259 = arith.constant 40 : i32
      %mul3A_260 = arith.muli %add3A_258, %mul3A_259 : i32
      %dma_wait3A_261 = arith.constant 0 : i32
      %dma_wait3A_262 = tpu.memref_slice %arg4[%mul3A_2, %dma_wait3A_261] : memref<320000x128xf32, #tpu.memory_space<hbm>> -> memref<40x128xf32, #tpu.memory_space<hbm>>
      %dma_wait3A_263 = arith.constant 0 : i32
      %dma_wait3A_264 = tpu.memref_slice %arg4[%mul3A_2, %dma_wait3A_263] : memref<320000x128xf32, #tpu.memory_space<hbm>> -> memref<40x128xf32, #tpu.memory_space<hbm>>
      tpu.wait_dma2 semaphore(%arg26 : memref<!tpu.dma_semaphore, #tpu.memory_space<semaphore_mem>>) src(%arg9 : memref<40x128xf32, #tpu.memory_space<vmem>>) dst(%dma_wait3A_264 : memref<40x128xf32, #tpu.memory_space<hbm>>)
      %dma_start3A_265 = tpu.memref_slice %arg5[%mul3A_260] : memref<10000xi32, #tpu.memory_space<vmem>> -> memref<40xi32, #tpu.memory_space<vmem>>
      %dma_start3A_266 = arith.constant 0 : i32
      %dma_start3A_267 = arith.constant 0 : i32
      %dma_start3A_268 = tpu.memref_slice %arg14[%dma_start3A_266, %dma_start3A_267] : memref<10000x128xf32, #tpu.memory_space<vmem_shared>> -> memref<10000x128xf32, #tpu.memory_space<vmem_shared>>
      tpu.enqueue_indirect_dma source(%dma_start3A_268 : memref<10000x128xf32, #tpu.memory_space<vmem_shared>>) target(%arg9 : memref<40x128xf32, #tpu.memory_space<vmem>>) offsets(%dma_start3A_265 : memref<40xi32, #tpu.memory_space<vmem>>) semaphore(%arg18 : memref<!tpu.dma_semaphore, #tpu.memory_space<semaphore_mem>>)
      %mul3A_269 = arith.constant 8 : i32
      %mul3A_270 = arith.muli %mul3A_269, %scan3A_212 : i32
      %add3A_271 = arith.constant 4 : i32
      %add3A_272 = arith.addi %mul3A_270, %add3A_271 : i32
      %mul3A_273 = arith.constant 40 : i32
      %mul3A_274 = arith.muli %add3A_272, %mul3A_273 : i32
      %dma_wait3A_275 = arith.constant 0 : i32
      %dma_wait3A_276 = tpu.memref_slice %arg4[%mul3A_2, %dma_wait3A_275] : memref<320000x128xf32, #tpu.memory_space<hbm>> -> memref<40x128xf32, #tpu.memory_space<hbm>>
      %dma_wait3A_277 = arith.constant 0 : i32
      %dma_wait3A_278 = tpu.memref_slice %arg4[%mul3A_2, %dma_wait3A_277] : memref<320000x128xf32, #tpu.memory_space<hbm>> -> memref<40x128xf32, #tpu.memory_space<hbm>>
      tpu.wait_dma2 semaphore(%arg27 : memref<!tpu.dma_semaphore, #tpu.memory_space<semaphore_mem>>) src(%arg10 : memref<40x128xf32, #tpu.memory_space<vmem>>) dst(%dma_wait3A_278 : memref<40x128xf32, #tpu.memory_space<hbm>>)
      %dma_start3A_279 = tpu.memref_slice %arg5[%mul3A_274] : memref<10000xi32, #tpu.memory_space<vmem>> -> memref<40xi32, #tpu.memory_space<vmem>>
      %dma_start3A_280 = arith.constant 0 : i32
      %dma_start3A_281 = arith.constant 0 : i32
      %dma_start3A_282 = tpu.memref_slice %arg14[%dma_start3A_280, %dma_start3A_281] : memref<10000x128xf32, #tpu.memory_space<vmem_shared>> -> memref<10000x128xf32, #tpu.memory_space<vmem_shared>>
      tpu.enqueue_indirect_dma source(%dma_start3A_282 : memref<10000x128xf32, #tpu.memory_space<vmem_shared>>) target(%arg10 : memref<40x128xf32, #tpu.memory_space<vmem>>) offsets(%dma_start3A_279 : memref<40xi32, #tpu.memory_space<vmem>>) semaphore(%arg19 : memref<!tpu.dma_semaphore, #tpu.memory_space<semaphore_mem>>)
      %mul3A_283 = arith.constant 8 : i32
      %mul3A_284 = arith.muli %mul3A_283, %scan3A_212 : i32
      %add3A_285 = arith.constant 5 : i32
      %add3A_286 = arith.addi %mul3A_284, %add3A_285 : i32
      %mul3A_287 = arith.constant 40 : i32
      %mul3A_288 = arith.muli %add3A_286, %mul3A_287 : i32
      %dma_wait3A_289 = arith.constant 0 : i32
      %dma_wait3A_290 = tpu.memref_slice %arg4[%mul3A_2, %dma_wait3A_289] : memref<320000x128xf32, #tpu.memory_space<hbm>> -> memref<40x128xf32, #tpu.memory_space<hbm>>
      %dma_wait3A_291 = arith.constant 0 : i32
      %dma_wait3A_292 = tpu.memref_slice %arg4[%mul3A_2, %dma_wait3A_291] : memref<320000x128xf32, #tpu.memory_space<hbm>> -> memref<40x128xf32, #tpu.memory_space<hbm>>
      tpu.wait_dma2 semaphore(%arg28 : memref<!tpu.dma_semaphore, #tpu.memory_space<semaphore_mem>>) src(%arg11 : memref<40x128xf32, #tpu.memory_space<vmem>>) dst(%dma_wait3A_292 : memref<40x128xf32, #tpu.memory_space<hbm>>)
      %dma_start3A_293 = tpu.memref_slice %arg5[%mul3A_288] : memref<10000xi32, #tpu.memory_space<vmem>> -> memref<40xi32, #tpu.memory_space<vmem>>
      %dma_start3A_294 = arith.constant 0 : i32
      %dma_start3A_295 = arith.constant 0 : i32
      %dma_start3A_296 = tpu.memref_slice %arg14[%dma_start3A_294, %dma_start3A_295] : memref<10000x128xf32, #tpu.memory_space<vmem_shared>> -> memref<10000x128xf32, #tpu.memory_space<vmem_shared>>
      tpu.enqueue_indirect_dma source(%dma_start3A_296 : memref<10000x128xf32, #tpu.memory_space<vmem_shared>>) target(%arg11 : memref<40x128xf32, #tpu.memory_space<vmem>>) offsets(%dma_start3A_293 : memref<40xi32, #tpu.memory_space<vmem>>) semaphore(%arg20 : memref<!tpu.dma_semaphore, #tpu.memory_space<semaphore_mem>>)
      %mul3A_297 = arith.constant 8 : i32
      %mul3A_298 = arith.muli %mul3A_297, %scan3A_212 : i32
      %add3A_299 = arith.constant 6 : i32
      %add3A_300 = arith.addi %mul3A_298, %add3A_299 : i32
      %mul3A_301 = arith.constant 40 : i32
      %mul3A_302 = arith.muli %add3A_300, %mul3A_301 : i32
      %dma_wait3A_303 = arith.constant 0 : i32
      %dma_wait3A_304 = tpu.memref_slice %arg4[%mul3A_2, %dma_wait3A_303] : memref<320000x128xf32, #tpu.memory_space<hbm>> -> memref<40x128xf32, #tpu.memory_space<hbm>>
      %dma_wait3A_305 = arith.constant 0 : i32
      %dma_wait3A_306 = tpu.memref_slice %arg4[%mul3A_2, %dma_wait3A_305] : memref<320000x128xf32, #tpu.memory_space<hbm>> -> memref<40x128xf32, #tpu.memory_space<hbm>>
      tpu.wait_dma2 semaphore(%arg29 : memref<!tpu.dma_semaphore, #tpu.memory_space<semaphore_mem>>) src(%arg12 : memref<40x128xf32, #tpu.memory_space<vmem>>) dst(%dma_wait3A_306 : memref<40x128xf32, #tpu.memory_space<hbm>>)
      %dma_start3A_307 = tpu.memref_slice %arg5[%mul3A_302] : memref<10000xi32, #tpu.memory_space<vmem>> -> memref<40xi32, #tpu.memory_space<vmem>>
      %dma_start3A_308 = arith.constant 0 : i32
      %dma_start3A_309 = arith.constant 0 : i32
      %dma_start3A_310 = tpu.memref_slice %arg14[%dma_start3A_308, %dma_start3A_309] : memref<10000x128xf32, #tpu.memory_space<vmem_shared>> -> memref<10000x128xf32, #tpu.memory_space<vmem_shared>>
      tpu.enqueue_indirect_dma source(%dma_start3A_310 : memref<10000x128xf32, #tpu.memory_space<vmem_shared>>) target(%arg12 : memref<40x128xf32, #tpu.memory_space<vmem>>) offsets(%dma_start3A_307 : memref<40xi32, #tpu.memory_space<vmem>>) semaphore(%arg21 : memref<!tpu.dma_semaphore, #tpu.memory_space<semaphore_mem>>)
      %mul3A_311 = arith.constant 8 : i32
      %mul3A_312 = arith.muli %mul3A_311, %scan3A_212 : i32
      %add3A_313 = arith.constant 7 : i32
      %add3A_314 = arith.addi %mul3A_312, %add3A_313 : i32
      %mul3A_315 = arith.constant 40 : i32
      %mul3A_316 = arith.muli %add3A_314, %mul3A_315 : i32
      %dma_wait3A_317 = arith.constant 0 : i32
      %dma_wait3A_318 = tpu.memref_slice %arg4[%mul3A_2, %dma_wait3A_317] : memref<320000x128xf32, #tpu.memory_space<hbm>> -> memref<40x128xf32, #tpu.memory_space<hbm>>
      %dma_wait3A_319 = arith.constant 0 : i32
      %dma_wait3A_320 = tpu.memref_slice %arg4[%mul3A_2, %dma_wait3A_319] : memref<320000x128xf32, #tpu.memory_space<hbm>> -> memref<40x128xf32, #tpu.memory_space<hbm>>
      tpu.wait_dma2 semaphore(%arg30 : memref<!tpu.dma_semaphore, #tpu.memory_space<semaphore_mem>>) src(%arg13 : memref<40x128xf32, #tpu.memory_space<vmem>>) dst(%dma_wait3A_320 : memref<40x128xf32, #tpu.memory_space<hbm>>)
      %dma_start3A_321 = tpu.memref_slice %arg5[%mul3A_316] : memref<10000xi32, #tpu.memory_space<vmem>> -> memref<40xi32, #tpu.memory_space<vmem>>
      %dma_start3A_322 = arith.constant 0 : i32
      %dma_start3A_323 = arith.constant 0 : i32
      %dma_start3A_324 = tpu.memref_slice %arg14[%dma_start3A_322, %dma_start3A_323] : memref<10000x128xf32, #tpu.memory_space<vmem_shared>> -> memref<10000x128xf32, #tpu.memory_space<vmem_shared>>
      tpu.enqueue_indirect_dma source(%dma_start3A_324 : memref<10000x128xf32, #tpu.memory_space<vmem_shared>>) target(%arg13 : memref<40x128xf32, #tpu.memory_space<vmem>>) offsets(%dma_start3A_321 : memref<40xi32, #tpu.memory_space<vmem>>) semaphore(%arg22 : memref<!tpu.dma_semaphore, #tpu.memory_space<semaphore_mem>>)
      %mul3A_325 = arith.constant 8 : i32
      %mul3A_326 = arith.muli %mul3A_325, %scan3A_212 : i32
      %add3A_327 = arith.constant 0 : i32
      %add3A_328 = arith.addi %mul3A_326, %add3A_327 : i32
      %mul3A_329 = arith.constant 40 : i32
      %mul3A_330 = arith.muli %add3A_328, %mul3A_329 : i32
      %dma_wait3A_331 = tpu.memref_slice %arg5[%mul3A_218] : memref<10000xi32, #tpu.memory_space<vmem>> -> memref<40xi32, #tpu.memory_space<vmem>>
      %dma_wait3A_332 = arith.constant 0 : i32
      %dma_wait3A_333 = arith.constant 0 : i32
      %dma_wait3A_334 = tpu.memref_slice %arg14[%dma_wait3A_332, %dma_wait3A_333] : memref<10000x128xf32, #tpu.memory_space<vmem_shared>> -> memref<10000x128xf32, #tpu.memory_space<vmem_shared>>
      tpu.wait_indirect_dma semaphore(%arg15 : memref<!tpu.dma_semaphore, #tpu.memory_space<semaphore_mem>>) src(%dma_wait3A_334 : memref<10000x128xf32, #tpu.memory_space<vmem_shared>>) dst(%arg6 : memref<40x128xf32, #tpu.memory_space<vmem>>)
      %add3A_335 = arith.addi %mul3A_2, %mul3A_330 : i32
      %dma_start3A_336 = arith.constant 0 : i32
      %dma_start3A_337 = tpu.memref_slice %arg4[%add3A_335, %dma_start3A_336] : memref<320000x128xf32, #tpu.memory_space<hbm>> -> memref<40x128xf32, #tpu.memory_space<hbm>>
      %dma_start3A_338 = arith.constant 0 : i32
      %dma_start3A_339 = tpu.memref_slice %arg4[%add3A_335, %dma_start3A_338] : memref<320000x128xf32, #tpu.memory_space<hbm>> -> memref<40x128xf32, #tpu.memory_space<hbm>>
      tpu.enqueue_dma source(%arg6 : memref<40x128xf32, #tpu.memory_space<vmem>>) target(%dma_start3A_339 : memref<40x128xf32, #tpu.memory_space<hbm>>) target_semaphore(%arg23 : memref<!tpu.dma_semaphore, #tpu.memory_space<semaphore_mem>>)
      %mul3A_340 = arith.constant 8 : i32
      %mul3A_341 = arith.muli %mul3A_340, %scan3A_212 : i32
      %add3A_342 = arith.constant 1 : i32
      %add3A_343 = arith.addi %mul3A_341, %add3A_342 : i32
      %mul3A_344 = arith.constant 40 : i32
      %mul3A_345 = arith.muli %add3A_343, %mul3A_344 : i32
      %dma_wait3A_346 = tpu.memref_slice %arg5[%mul3A_232] : memref<10000xi32, #tpu.memory_space<vmem>> -> memref<40xi32, #tpu.memory_space<vmem>>
      %dma_wait3A_347 = arith.constant 0 : i32
      %dma_wait3A_348 = arith.constant 0 : i32
      %dma_wait3A_349 = tpu.memref_slice %arg14[%dma_wait3A_347, %dma_wait3A_348] : memref<10000x128xf32, #tpu.memory_space<vmem_shared>> -> memref<10000x128xf32, #tpu.memory_space<vmem_shared>>
      tpu.wait_indirect_dma semaphore(%arg16 : memref<!tpu.dma_semaphore, #tpu.memory_space<semaphore_mem>>) src(%dma_wait3A_349 : memref<10000x128xf32, #tpu.memory_space<vmem_shared>>) dst(%arg7 : memref<40x128xf32, #tpu.memory_space<vmem>>)
      %add3A_350 = arith.addi %mul3A_2, %mul3A_345 : i32
      %dma_start3A_351 = arith.constant 0 : i32
      %dma_start3A_352 = tpu.memref_slice %arg4[%add3A_350, %dma_start3A_351] : memref<320000x128xf32, #tpu.memory_space<hbm>> -> memref<40x128xf32, #tpu.memory_space<hbm>>
      %dma_start3A_353 = arith.constant 0 : i32
      %dma_start3A_354 = tpu.memref_slice %arg4[%add3A_350, %dma_start3A_353] : memref<320000x128xf32, #tpu.memory_space<hbm>> -> memref<40x128xf32, #tpu.memory_space<hbm>>
      tpu.enqueue_dma source(%arg7 : memref<40x128xf32, #tpu.memory_space<vmem>>) target(%dma_start3A_354 : memref<40x128xf32, #tpu.memory_space<hbm>>) target_semaphore(%arg24 : memref<!tpu.dma_semaphore, #tpu.memory_space<semaphore_mem>>)
      %mul3A_355 = arith.constant 8 : i32
      %mul3A_356 = arith.muli %mul3A_355, %scan3A_212 : i32
      %add3A_357 = arith.constant 2 : i32
      %add3A_358 = arith.addi %mul3A_356, %add3A_357 : i32
      %mul3A_359 = arith.constant 40 : i32
      %mul3A_360 = arith.muli %add3A_358, %mul3A_359 : i32
      %dma_wait3A_361 = tpu.memref_slice %arg5[%mul3A_246] : memref<10000xi32, #tpu.memory_space<vmem>> -> memref<40xi32, #tpu.memory_space<vmem>>
      %dma_wait3A_362 = arith.constant 0 : i32
      %dma_wait3A_363 = arith.constant 0 : i32
      %dma_wait3A_364 = tpu.memref_slice %arg14[%dma_wait3A_362, %dma_wait3A_363] : memref<10000x128xf32, #tpu.memory_space<vmem_shared>> -> memref<10000x128xf32, #tpu.memory_space<vmem_shared>>
      tpu.wait_indirect_dma semaphore(%arg17 : memref<!tpu.dma_semaphore, #tpu.memory_space<semaphore_mem>>) src(%dma_wait3A_364 : memref<10000x128xf32, #tpu.memory_space<vmem_shared>>) dst(%arg8 : memref<40x128xf32, #tpu.memory_space<vmem>>)
      %add3A_365 = arith.addi %mul3A_2, %mul3A_360 : i32
      %dma_start3A_366 = arith.constant 0 : i32
      %dma_start3A_367 = tpu.memref_slice %arg4[%add3A_365, %dma_start3A_366] : memref<320000x128xf32, #tpu.memory_space<hbm>> -> memref<40x128xf32, #tpu.memory_space<hbm>>
      %dma_start3A_368 = arith.constant 0 : i32
      %dma_start3A_369 = tpu.memref_slice %arg4[%add3A_365, %dma_start3A_368] : memref<320000x128xf32, #tpu.memory_space<hbm>> -> memref<40x128xf32, #tpu.memory_space<hbm>>
      tpu.enqueue_dma source(%arg8 : memref<40x128xf32, #tpu.memory_space<vmem>>) target(%dma_start3A_369 : memref<40x128xf32, #tpu.memory_space<hbm>>) target_semaphore(%arg25 : memref<!tpu.dma_semaphore, #tpu.memory_space<semaphore_mem>>)
      %mul3A_370 = arith.constant 8 : i32
      %mul3A_371 = arith.muli %mul3A_370, %scan3A_212 : i32
      %add3A_372 = arith.constant 3 : i32
      %add3A_373 = arith.addi %mul3A_371, %add3A_372 : i32
      %mul3A_374 = arith.constant 40 : i32
      %mul3A_375 = arith.muli %add3A_373, %mul3A_374 : i32
      %dma_wait3A_376 = tpu.memref_slice %arg5[%mul3A_260] : memref<10000xi32, #tpu.memory_space<vmem>> -> memref<40xi32, #tpu.memory_space<vmem>>
      %dma_wait3A_377 = arith.constant 0 : i32
      %dma_wait3A_378 = arith.constant 0 : i32
      %dma_wait3A_379 = tpu.memref_slice %arg14[%dma_wait3A_377, %dma_wait3A_378] : memref<10000x128xf32, #tpu.memory_space<vmem_shared>> -> memref<10000x128xf32, #tpu.memory_space<vmem_shared>>
      tpu.wait_indirect_dma semaphore(%arg18 : memref<!tpu.dma_semaphore, #tpu.memory_space<semaphore_mem>>) src(%dma_wait3A_379 : memref<10000x128xf32, #tpu.memory_space<vmem_shared>>) dst(%arg9 : memref<40x128xf32, #tpu.memory_space<vmem>>)
      %add3A_380 = arith.addi %mul3A_2, %mul3A_375 : i32
      %dma_start3A_381 = arith.constant 0 : i32
      %dma_start3A_382 = tpu.memref_slice %arg4[%add3A_380, %dma_start3A_381] : memref<320000x128xf32, #tpu.memory_space<hbm>> -> memref<40x128xf32, #tpu.memory_space<hbm>>
      %dma_start3A_383 = arith.constant 0 : i32
      %dma_start3A_384 = tpu.memref_slice %arg4[%add3A_380, %dma_start3A_383] : memref<320000x128xf32, #tpu.memory_space<hbm>> -> memref<40x128xf32, #tpu.memory_space<hbm>>
      tpu.enqueue_dma source(%arg9 : memref<40x128xf32, #tpu.memory_space<vmem>>) target(%dma_start3A_384 : memref<40x128xf32, #tpu.memory_space<hbm>>) target_semaphore(%arg26 : memref<!tpu.dma_semaphore, #tpu.memory_space<semaphore_mem>>)
      %mul3A_385 = arith.constant 8 : i32
      %mul3A_386 = arith.muli %mul3A_385, %scan3A_212 : i32
      %add3A_387 = arith.constant 4 : i32
      %add3A_388 = arith.addi %mul3A_386, %add3A_387 : i32
      %mul3A_389 = arith.constant 40 : i32
      %mul3A_390 = arith.muli %add3A_388, %mul3A_389 : i32
      %dma_wait3A_391 = tpu.memref_slice %arg5[%mul3A_274] : memref<10000xi32, #tpu.memory_space<vmem>> -> memref<40xi32, #tpu.memory_space<vmem>>
      %dma_wait3A_392 = arith.constant 0 : i32
      %dma_wait3A_393 = arith.constant 0 : i32
      %dma_wait3A_394 = tpu.memref_slice %arg14[%dma_wait3A_392, %dma_wait3A_393] : memref<10000x128xf32, #tpu.memory_space<vmem_shared>> -> memref<10000x128xf32, #tpu.memory_space<vmem_shared>>
      tpu.wait_indirect_dma semaphore(%arg19 : memref<!tpu.dma_semaphore, #tpu.memory_space<semaphore_mem>>) src(%dma_wait3A_394 : memref<10000x128xf32, #tpu.memory_space<vmem_shared>>) dst(%arg10 : memref<40x128xf32, #tpu.memory_space<vmem>>)
      %add3A_395 = arith.addi %mul3A_2, %mul3A_390 : i32
      %dma_start3A_396 = arith.constant 0 : i32
      %dma_start3A_397 = tpu.memref_slice %arg4[%add3A_395, %dma_start3A_396] : memref<320000x128xf32, #tpu.memory_space<hbm>> -> memref<40x128xf32, #tpu.memory_space<hbm>>
      %dma_start3A_398 = arith.constant 0 : i32
      %dma_start3A_399 = tpu.memref_slice %arg4[%add3A_395, %dma_start3A_398] : memref<320000x128xf32, #tpu.memory_space<hbm>> -> memref<40x128xf32, #tpu.memory_space<hbm>>
      tpu.enqueue_dma source(%arg10 : memref<40x128xf32, #tpu.memory_space<vmem>>) target(%dma_start3A_399 : memref<40x128xf32, #tpu.memory_space<hbm>>) target_semaphore(%arg27 : memref<!tpu.dma_semaphore, #tpu.memory_space<semaphore_mem>>)
      %mul3A_400 = arith.constant 8 : i32
      %mul3A_401 = arith.muli %mul3A_400, %scan3A_212 : i32
      %add3A_402 = arith.constant 5 : i32
      %add3A_403 = arith.addi %mul3A_401, %add3A_402 : i32
      %mul3A_404 = arith.constant 40 : i32
      %mul3A_405 = arith.muli %add3A_403, %mul3A_404 : i32
      %dma_wait3A_406 = tpu.memref_slice %arg5[%mul3A_288] : memref<10000xi32, #tpu.memory_space<vmem>> -> memref<40xi32, #tpu.memory_space<vmem>>
      %dma_wait3A_407 = arith.constant 0 : i32
      %dma_wait3A_408 = arith.constant 0 : i32
      %dma_wait3A_409 = tpu.memref_slice %arg14[%dma_wait3A_407, %dma_wait3A_408] : memref<10000x128xf32, #tpu.memory_space<vmem_shared>> -> memref<10000x128xf32, #tpu.memory_space<vmem_shared>>
      tpu.wait_indirect_dma semaphore(%arg20 : memref<!tpu.dma_semaphore, #tpu.memory_space<semaphore_mem>>) src(%dma_wait3A_409 : memref<10000x128xf32, #tpu.memory_space<vmem_shared>>) dst(%arg11 : memref<40x128xf32, #tpu.memory_space<vmem>>)
      %add3A_410 = arith.addi %mul3A_2, %mul3A_405 : i32
      %dma_start3A_411 = arith.constant 0 : i32
      %dma_start3A_412 = tpu.memref_slice %arg4[%add3A_410, %dma_start3A_411] : memref<320000x128xf32, #tpu.memory_space<hbm>> -> memref<40x128xf32, #tpu.memory_space<hbm>>
      %dma_start3A_413 = arith.constant 0 : i32
      %dma_start3A_414 = tpu.memref_slice %arg4[%add3A_410, %dma_start3A_413] : memref<320000x128xf32, #tpu.memory_space<hbm>> -> memref<40x128xf32, #tpu.memory_space<hbm>>
      tpu.enqueue_dma source(%arg11 : memref<40x128xf32, #tpu.memory_space<vmem>>) target(%dma_start3A_414 : memref<40x128xf32, #tpu.memory_space<hbm>>) target_semaphore(%arg28 : memref<!tpu.dma_semaphore, #tpu.memory_space<semaphore_mem>>)
      %mul3A_415 = arith.constant 8 : i32
      %mul3A_416 = arith.muli %mul3A_415, %scan3A_212 : i32
      %add3A_417 = arith.constant 6 : i32
      %add3A_418 = arith.addi %mul3A_416, %add3A_417 : i32
      %mul3A_419 = arith.constant 40 : i32
      %mul3A_420 = arith.muli %add3A_418, %mul3A_419 : i32
      %dma_wait3A_421 = tpu.memref_slice %arg5[%mul3A_302] : memref<10000xi32, #tpu.memory_space<vmem>> -> memref<40xi32, #tpu.memory_space<vmem>>
      %dma_wait3A_422 = arith.constant 0 : i32
      %dma_wait3A_423 = arith.constant 0 : i32
      %dma_wait3A_424 = tpu.memref_slice %arg14[%dma_wait3A_422, %dma_wait3A_423] : memref<10000x128xf32, #tpu.memory_space<vmem_shared>> -> memref<10000x128xf32, #tpu.memory_space<vmem_shared>>
      tpu.wait_indirect_dma semaphore(%arg21 : memref<!tpu.dma_semaphore, #tpu.memory_space<semaphore_mem>>) src(%dma_wait3A_424 : memref<10000x128xf32, #tpu.memory_space<vmem_shared>>) dst(%arg12 : memref<40x128xf32, #tpu.memory_space<vmem>>)
      %add3A_425 = arith.addi %mul3A_2, %mul3A_420 : i32
      %dma_start3A_426 = arith.constant 0 : i32
      %dma_start3A_427 = tpu.memref_slice %arg4[%add3A_425, %dma_start3A_426] : memref<320000x128xf32, #tpu.memory_space<hbm>> -> memref<40x128xf32, #tpu.memory_space<hbm>>
      %dma_start3A_428 = arith.constant 0 : i32
      %dma_start3A_429 = tpu.memref_slice %arg4[%add3A_425, %dma_start3A_428] : memref<320000x128xf32, #tpu.memory_space<hbm>> -> memref<40x128xf32, #tpu.memory_space<hbm>>
      tpu.enqueue_dma source(%arg12 : memref<40x128xf32, #tpu.memory_space<vmem>>) target(%dma_start3A_429 : memref<40x128xf32, #tpu.memory_space<hbm>>) target_semaphore(%arg29 : memref<!tpu.dma_semaphore, #tpu.memory_space<semaphore_mem>>)
      %mul3A_430 = arith.constant 8 : i32
      %mul3A_431 = arith.muli %mul3A_430, %scan3A_212 : i32
      %add3A_432 = arith.constant 7 : i32
      %add3A_433 = arith.addi %mul3A_431, %add3A_432 : i32
      %mul3A_434 = arith.constant 40 : i32
      %mul3A_435 = arith.muli %add3A_433, %mul3A_434 : i32
      %dma_wait3A_436 = tpu.memref_slice %arg5[%mul3A_316] : memref<10000xi32, #tpu.memory_space<vmem>> -> memref<40xi32, #tpu.memory_space<vmem>>
      %dma_wait3A_437 = arith.constant 0 : i32
      %dma_wait3A_438 = arith.constant 0 : i32
      %dma_wait3A_439 = tpu.memref_slice %arg14[%dma_wait3A_437, %dma_wait3A_438] : memref<10000x128xf32, #tpu.memory_space<vmem_shared>> -> memref<10000x128xf32, #tpu.memory_space<vmem_shared>>
      tpu.wait_indirect_dma semaphore(%arg22 : memref<!tpu.dma_semaphore, #tpu.memory_space<semaphore_mem>>) src(%dma_wait3A_439 : memref<10000x128xf32, #tpu.memory_space<vmem_shared>>) dst(%arg13 : memref<40x128xf32, #tpu.memory_space<vmem>>)
      %add3A_440 = arith.addi %mul3A_2, %mul3A_435 : i32
      %dma_start3A_441 = arith.constant 0 : i32
      %dma_start3A_442 = tpu.memref_slice %arg4[%add3A_440, %dma_start3A_441] : memref<320000x128xf32, #tpu.memory_space<hbm>> -> memref<40x128xf32, #tpu.memory_space<hbm>>
      %dma_start3A_443 = arith.constant 0 : i32
      %dma_start3A_444 = tpu.memref_slice %arg4[%add3A_440, %dma_start3A_443] : memref<320000x128xf32, #tpu.memory_space<hbm>> -> memref<40x128xf32, #tpu.memory_space<hbm>>
      tpu.enqueue_dma source(%arg13 : memref<40x128xf32, #tpu.memory_space<vmem>>) target(%dma_start3A_444 : memref<40x128xf32, #tpu.memory_space<hbm>>) target_semaphore(%arg30 : memref<!tpu.dma_semaphore, #tpu.memory_space<semaphore_mem>>)
    }
    %scan3A_139 = arith.constant 30 : i32
    %dma_wait3A_140 = arith.constant 0 : i32
    %dma_wait3A_141 = tpu.memref_slice %arg4[%mul3A_2, %dma_wait3A_140] : memref<320000x128xf32, #tpu.memory_space<hbm>> -> memref<40x128xf32, #tpu.memory_space<hbm>>
    %dma_wait3A_142 = arith.constant 0 : i32
    %dma_wait3A_143 = tpu.memref_slice %arg4[%mul3A_2, %dma_wait3A_142] : memref<320000x128xf32, #tpu.memory_space<hbm>> -> memref<40x128xf32, #tpu.memory_space<hbm>>
    tpu.wait_dma2 semaphore(%arg23 : memref<!tpu.dma_semaphore, #tpu.memory_space<semaphore_mem>>) src(%arg6 : memref<40x128xf32, #tpu.memory_space<vmem>>) dst(%dma_wait3A_143 : memref<40x128xf32, #tpu.memory_space<hbm>>)
    %dma_start3A_144 = arith.constant 9920 : i32
    %dma_start3A_145 = tpu.memref_slice %arg5[%dma_start3A_144] : memref<10000xi32, #tpu.memory_space<vmem>> -> memref<40xi32, #tpu.memory_space<vmem>>
    %dma_start3A_146 = arith.constant 0 : i32
    %dma_start3A_147 = arith.constant 0 : i32
    %dma_start3A_148 = tpu.memref_slice %arg14[%dma_start3A_146, %dma_start3A_147] : memref<10000x128xf32, #tpu.memory_space<vmem_shared>> -> memref<10000x128xf32, #tpu.memory_space<vmem_shared>>
    tpu.enqueue_indirect_dma source(%dma_start3A_148 : memref<10000x128xf32, #tpu.memory_space<vmem_shared>>) target(%arg6 : memref<40x128xf32, #tpu.memory_space<vmem>>) offsets(%dma_start3A_145 : memref<40xi32, #tpu.memory_space<vmem>>) semaphore(%arg15 : memref<!tpu.dma_semaphore, #tpu.memory_space<semaphore_mem>>)
    %dma_wait3A_149 = arith.constant 0 : i32
    %dma_wait3A_150 = tpu.memref_slice %arg4[%mul3A_2, %dma_wait3A_149] : memref<320000x128xf32, #tpu.memory_space<hbm>> -> memref<40x128xf32, #tpu.memory_space<hbm>>
    %dma_wait3A_151 = arith.constant 0 : i32
    %dma_wait3A_152 = tpu.memref_slice %arg4[%mul3A_2, %dma_wait3A_151] : memref<320000x128xf32, #tpu.memory_space<hbm>> -> memref<40x128xf32, #tpu.memory_space<hbm>>
    tpu.wait_dma2 semaphore(%arg24 : memref<!tpu.dma_semaphore, #tpu.memory_space<semaphore_mem>>) src(%arg7 : memref<40x128xf32, #tpu.memory_space<vmem>>) dst(%dma_wait3A_152 : memref<40x128xf32, #tpu.memory_space<hbm>>)
    %dma_start3A_153 = arith.constant 9960 : i32
    %dma_start3A_154 = tpu.memref_slice %arg5[%dma_start3A_153] : memref<10000xi32, #tpu.memory_space<vmem>> -> memref<40xi32, #tpu.memory_space<vmem>>
    %dma_start3A_155 = arith.constant 0 : i32
    %dma_start3A_156 = arith.constant 0 : i32
    %dma_start3A_157 = tpu.memref_slice %arg14[%dma_start3A_155, %dma_start3A_156] : memref<10000x128xf32, #tpu.memory_space<vmem_shared>> -> memref<10000x128xf32, #tpu.memory_space<vmem_shared>>
    tpu.enqueue_indirect_dma source(%dma_start3A_157 : memref<10000x128xf32, #tpu.memory_space<vmem_shared>>) target(%arg7 : memref<40x128xf32, #tpu.memory_space<vmem>>) offsets(%dma_start3A_154 : memref<40xi32, #tpu.memory_space<vmem>>) semaphore(%arg16 : memref<!tpu.dma_semaphore, #tpu.memory_space<semaphore_mem>>)
    %dma_wait3A_158 = arith.constant 9920 : i32
    %dma_wait3A_159 = tpu.memref_slice %arg5[%dma_wait3A_158] : memref<10000xi32, #tpu.memory_space<vmem>> -> memref<40xi32, #tpu.memory_space<vmem>>
    %dma_wait3A_160 = arith.constant 0 : i32
    %dma_wait3A_161 = arith.constant 0 : i32
    %dma_wait3A_162 = tpu.memref_slice %arg14[%dma_wait3A_160, %dma_wait3A_161] : memref<10000x128xf32, #tpu.memory_space<vmem_shared>> -> memref<10000x128xf32, #tpu.memory_space<vmem_shared>>
    tpu.wait_indirect_dma semaphore(%arg15 : memref<!tpu.dma_semaphore, #tpu.memory_space<semaphore_mem>>) src(%dma_wait3A_162 : memref<10000x128xf32, #tpu.memory_space<vmem_shared>>) dst(%arg6 : memref<40x128xf32, #tpu.memory_space<vmem>>)
    %add3A_163 = arith.constant 9920 : i32
    %add3A_164 = arith.addi %mul3A_2, %add3A_163 : i32
    %dma_start3A_165 = arith.constant 0 : i32
    %dma_start3A_166 = tpu.memref_slice %arg4[%add3A_164, %dma_start3A_165] : memref<320000x128xf32, #tpu.memory_space<hbm>> -> memref<40x128xf32, #tpu.memory_space<hbm>>
    %dma_start3A_167 = arith.constant 0 : i32
    %dma_start3A_168 = tpu.memref_slice %arg4[%add3A_164, %dma_start3A_167] : memref<320000x128xf32, #tpu.memory_space<hbm>> -> memref<40x128xf32, #tpu.memory_space<hbm>>
    tpu.enqueue_dma source(%arg6 : memref<40x128xf32, #tpu.memory_space<vmem>>) target(%dma_start3A_168 : memref<40x128xf32, #tpu.memory_space<hbm>>) target_semaphore(%arg23 : memref<!tpu.dma_semaphore, #tpu.memory_space<semaphore_mem>>)
    %dma_wait3A_169 = arith.constant 9960 : i32
    %dma_wait3A_170 = tpu.memref_slice %arg5[%dma_wait3A_169] : memref<10000xi32, #tpu.memory_space<vmem>> -> memref<40xi32, #tpu.memory_space<vmem>>
    %dma_wait3A_171 = arith.constant 0 : i32
    %dma_wait3A_172 = arith.constant 0 : i32
    %dma_wait3A_173 = tpu.memref_slice %arg14[%dma_wait3A_171, %dma_wait3A_172] : memref<10000x128xf32, #tpu.memory_space<vmem_shared>> -> memref<10000x128xf32, #tpu.memory_space<vmem_shared>>
    tpu.wait_indirect_dma semaphore(%arg16 : memref<!tpu.dma_semaphore, #tpu.memory_space<semaphore_mem>>) src(%dma_wait3A_173 : memref<10000x128xf32, #tpu.memory_space<vmem_shared>>) dst(%arg7 : memref<40x128xf32, #tpu.memory_space<vmem>>)
    %add3A_174 = arith.constant 9960 : i32
    %add3A_175 = arith.addi %mul3A_2, %add3A_174 : i32
    %dma_start3A_176 = arith.constant 0 : i32
    %dma_start3A_177 = tpu.memref_slice %arg4[%add3A_175, %dma_start3A_176] : memref<320000x128xf32, #tpu.memory_space<hbm>> -> memref<40x128xf32, #tpu.memory_space<hbm>>
    %dma_start3A_178 = arith.constant 0 : i32
    %dma_start3A_179 = tpu.memref_slice %arg4[%add3A_175, %dma_start3A_178] : memref<320000x128xf32, #tpu.memory_space<hbm>> -> memref<40x128xf32, #tpu.memory_space<hbm>>
    tpu.enqueue_dma source(%arg7 : memref<40x128xf32, #tpu.memory_space<vmem>>) target(%dma_start3A_179 : memref<40x128xf32, #tpu.memory_space<hbm>>) target_semaphore(%arg24 : memref<!tpu.dma_semaphore, #tpu.memory_space<semaphore_mem>>)
    %dma_wait3A_180 = arith.constant 0 : i32
    %dma_wait3A_181 = tpu.memref_slice %arg4[%mul3A_2, %dma_wait3A_180] : memref<320000x128xf32, #tpu.memory_space<hbm>> -> memref<40x128xf32, #tpu.memory_space<hbm>>
    %dma_wait3A_182 = arith.constant 0 : i32
    %dma_wait3A_183 = tpu.memref_slice %arg4[%mul3A_2, %dma_wait3A_182] : memref<320000x128xf32, #tpu.memory_space<hbm>> -> memref<40x128xf32, #tpu.memory_space<hbm>>
    tpu.wait_dma2 semaphore(%arg23 : memref<!tpu.dma_semaphore, #tpu.memory_space<semaphore_mem>>) src(%arg6 : memref<40x128xf32, #tpu.memory_space<vmem>>) dst(%dma_wait3A_183 : memref<40x128xf32, #tpu.memory_space<hbm>>)
    %dma_wait3A_184 = arith.constant 0 : i32
    %dma_wait3A_185 = tpu.memref_slice %arg4[%mul3A_2, %dma_wait3A_184] : memref<320000x128xf32, #tpu.memory_space<hbm>> -> memref<40x128xf32, #tpu.memory_space<hbm>>
    %dma_wait3A_186 = arith.constant 0 : i32
    %dma_wait3A_187 = tpu.memref_slice %arg4[%mul3A_2, %dma_wait3A_186] : memref<320000x128xf32, #tpu.memory_space<hbm>> -> memref<40x128xf32, #tpu.memory_space<hbm>>
    tpu.wait_dma2 semaphore(%arg24 : memref<!tpu.dma_semaphore, #tpu.memory_space<semaphore_mem>>) src(%arg7 : memref<40x128xf32, #tpu.memory_space<vmem>>) dst(%dma_wait3A_187 : memref<40x128xf32, #tpu.memory_space<hbm>>)
    %dma_wait3A_188 = arith.constant 0 : i32
    %dma_wait3A_189 = tpu.memref_slice %arg4[%mul3A_2, %dma_wait3A_188] : memref<320000x128xf32, #tpu.memory_space<hbm>> -> memref<40x128xf32, #tpu.memory_space<hbm>>
    %dma_wait3A_190 = arith.constant 0 : i32
    %dma_wait3A_191 = tpu.memref_slice %arg4[%mul3A_2, %dma_wait3A_190] : memref<320000x128xf32, #tpu.memory_space<hbm>> -> memref<40x128xf32, #tpu.memory_space<hbm>>
    tpu.wait_dma2 semaphore(%arg25 : memref<!tpu.dma_semaphore, #tpu.memory_space<semaphore_mem>>) src(%arg8 : memref<40x128xf32, #tpu.memory_space<vmem>>) dst(%dma_wait3A_191 : memref<40x128xf32, #tpu.memory_space<hbm>>)
    %dma_wait3A_192 = arith.constant 0 : i32
    %dma_wait3A_193 = tpu.memref_slice %arg4[%mul3A_2, %dma_wait3A_192] : memref<320000x128xf32, #tpu.memory_space<hbm>> -> memref<40x128xf32, #tpu.memory_space<hbm>>
    %dma_wait3A_194 = arith.constant 0 : i32
    %dma_wait3A_195 = tpu.memref_slice %arg4[%mul3A_2, %dma_wait3A_194] : memref<320000x128xf32, #tpu.memory_space<hbm>> -> memref<40x128xf32, #tpu.memory_space<hbm>>
    tpu.wait_dma2 semaphore(%arg26 : memref<!tpu.dma_semaphore, #tpu.memory_space<semaphore_mem>>) src(%arg9 : memref<40x128xf32, #tpu.memory_space<vmem>>) dst(%dma_wait3A_195 : memref<40x128xf32, #tpu.memory_space<hbm>>)
    %dma_wait3A_196 = arith.constant 0 : i32
    %dma_wait3A_197 = tpu.memref_slice %arg4[%mul3A_2, %dma_wait3A_196] : memref<320000x128xf32, #tpu.memory_space<hbm>> -> memref<40x128xf32, #tpu.memory_space<hbm>>
    %dma_wait3A_198 = arith.constant 0 : i32
    %dma_wait3A_199 = tpu.memref_slice %arg4[%mul3A_2, %dma_wait3A_198] : memref<320000x128xf32, #tpu.memory_space<hbm>> -> memref<40x128xf32, #tpu.memory_space<hbm>>
    tpu.wait_dma2 semaphore(%arg27 : memref<!tpu.dma_semaphore, #tpu.memory_space<semaphore_mem>>) src(%arg10 : memref<40x128xf32, #tpu.memory_space<vmem>>) dst(%dma_wait3A_199 : memref<40x128xf32, #tpu.memory_space<hbm>>)
    %dma_wait3A_200 = arith.constant 0 : i32
    %dma_wait3A_201 = tpu.memref_slice %arg4[%mul3A_2, %dma_wait3A_200] : memref<320000x128xf32, #tpu.memory_space<hbm>> -> memref<40x128xf32, #tpu.memory_space<hbm>>
    %dma_wait3A_202 = arith.constant 0 : i32
    %dma_wait3A_203 = tpu.memref_slice %arg4[%mul3A_2, %dma_wait3A_202] : memref<320000x128xf32, #tpu.memory_space<hbm>> -> memref<40x128xf32, #tpu.memory_space<hbm>>
    tpu.wait_dma2 semaphore(%arg28 : memref<!tpu.dma_semaphore, #tpu.memory_space<semaphore_mem>>) src(%arg11 : memref<40x128xf32, #tpu.memory_space<vmem>>) dst(%dma_wait3A_203 : memref<40x128xf32, #tpu.memory_space<hbm>>)
    %dma_wait3A_204 = arith.constant 0 : i32
    %dma_wait3A_205 = tpu.memref_slice %arg4[%mul3A_2, %dma_wait3A_204] : memref<320000x128xf32, #tpu.memory_space<hbm>> -> memref<40x128xf32, #tpu.memory_space<hbm>>
    %dma_wait3A_206 = arith.constant 0 : i32
    %dma_wait3A_207 = tpu.memref_slice %arg4[%mul3A_2, %dma_wait3A_206] : memref<320000x128xf32, #tpu.memory_space<hbm>> -> memref<40x128xf32, #tpu.memory_space<hbm>>
    tpu.wait_dma2 semaphore(%arg29 : memref<!tpu.dma_semaphore, #tpu.memory_space<semaphore_mem>>) src(%arg12 : memref<40x128xf32, #tpu.memory_space<vmem>>) dst(%dma_wait3A_207 : memref<40x128xf32, #tpu.memory_space<hbm>>)
    %dma_wait3A_208 = arith.constant 0 : i32
    %dma_wait3A_209 = tpu.memref_slice %arg4[%mul3A_2, %dma_wait3A_208] : memref<320000x128xf32, #tpu.memory_space<hbm>> -> memref<40x128xf32, #tpu.memory_space<hbm>>
    %dma_wait3A_210 = arith.constant 0 : i32
    %dma_wait3A_211 = tpu.memref_slice %arg4[%mul3A_2, %dma_wait3A_210] : memref<320000x128xf32, #tpu.memory_space<hbm>> -> memref<40x128xf32, #tpu.memory_space<hbm>>
    tpu.wait_dma2 semaphore(%arg30 : memref<!tpu.dma_semaphore, #tpu.memory_space<semaphore_mem>>) src(%arg13 : memref<40x128xf32, #tpu.memory_space<vmem>>) dst(%dma_wait3A_211 : memref<40x128xf32, #tpu.memory_space<hbm>>)
    return
  }
}

module attributes {stable_mosaic.version = 14 : i64} {
  func.func @_sigmoid_body(%arg0: memref<10000x128xf32, #tpu.memory_space<vmem>>, %arg1: memref<10000x128xf32, #tpu.memory_space<vmem>>) attributes {dimension_semantics = [], scalar_prefetch = 0 : i64, scratch_operands = 0 : i64, tpu.core_type = #tpu.core_type<tc>} {
    %get3A = arith.constant 0 : index
    %get3A_0 = arith.constant 0 : index
    %get3A_1 = vector.load %arg0[%get3A, %get3A_0] : memref<10000x128xf32, #tpu.memory_space<vmem>>, vector<10000x128xf32>
    %logistic3A = arith.negf %get3A_1 : vector<10000x128xf32>
    %logistic3A_2 = math.exp %logistic3A : vector<10000x128xf32>
    %logistic3A_3 = arith.constant 1.000000e+00 : f32
    %logistic3A_4 = vector.broadcast %logistic3A_3 : f32 to vector<10000x128xf32>
    %logistic3A_5 = arith.addf %logistic3A_4, %logistic3A_2 : vector<10000x128xf32>
    %logistic3A_6 = arith.divf %logistic3A_4, %logistic3A_5 : vector<10000x128xf32>
    %swap3A = arith.constant 0 : index
    %swap3A_7 = arith.constant 0 : index
    %swap3A_8 = vector.load %arg1[%swap3A, %swap3A_7] : memref<10000x128xf32, #tpu.memory_space<vmem>>, vector<10000x128xf32>
    tpu.vector_store %arg1[%swap3A, %swap3A_7], %logistic3A_6 {strides = array<i32>} : memref<10000x128xf32, #tpu.memory_space<vmem>>, vector<10000x128xf32>,
    return
  }
}

</mosaic_0001>

<sc_bundles>
// kernel: kernel.4.cloned.1.call-start
scs
__scs_entry_jumppad:
0x0: {  	(pc) =	sbr.rel $0x88, $3  }
0x1: {  	(tag) =	ssettag $0x0;
	lr =	simm.s32 $0x1  }
0x2: {  	[smem:$0x3F9F] =	sst lr;
	_ =	strace $0xD0000000  }
0x3: {  	_ = 	snop  }
0x4: {  	_ = 	snop  }
0x5: {  	_ = 	snop  }
0x6: {  	_ = 	snop  }
0x7: {  	_ = 	snop  }
__scs_overlays_trampoline_lowered:
0x8: {  	[smem:$0x3FAE] =	sst s0  }
0x9: {  	[smem:$0x3FAF] =	sst s1  }
0xa: {  	[smem:$0x3FB0] =	sst s2  }
0xb: {  	[smem:$0x3FB1] =	sst s3  }
0xc: {  	[smem:$0x3FB2] =	sst s4  }
0xd: {  	[smem:$0x3FB3] =	sst s5  }
0xe: {  	[smem:$0x3FB4] =	sst s6  }
0xf: {  	[smem:$0x3FB5] =	sst s7  }
0x10: {  	[smem:$0x3FB6] =	sst s8  }
0x11: {  	[smem:$0x3FB7] =	sst s9;
	s0 =	simm.s32 @!p0 $0x0  }
0x12: {  	s1 =	sld [smem:$0x3F9D];
	s0 =	simm.s32 @p0 $0x1  }
0x13: {  	[smem:$0x3FB8] =	sst s0;
	s0 =	simm.s32 @!p1 $0x0  }
0x14: {  	s2 =	sld [smem:$0x3F9C];
	s0 =	simm.s32 @p1 $0x1  }
0x15: {  	[smem:$0x3FB9] =	sst s0;
	s0 =	simm.s32 @!p2 $0x0  }
0x16: {  	s3 =	sld [smem:$0x3FDB];
	s0 =	simm.s32 @p2 $0x1  }
0x17: {  	s4 =	simm.s32 $0x1BF5;
	[smem:$0x3FBB] =	sst s0  }
0x18: {  	s0 =	sld [smem:$0x3F9E];
	_ =	swait.ge [sflag:s4], $0x0  }
0x19: {  	s7 =	sld [smem:$0x3F9F]  }
0x1a: {  	s8 =	sadd.s32 $0xFFFFE003, lr  }
0x1b: {  	s9 =	sadd.s32 $0xFFFFFEF7, lr;
	s5 =	simm.s32 $0xFFFFFFFF;
	p2 =	slt.u32 s8, $0xFFFFF086  }
0x1c: {  	p1 =	slt.u32 s9, $0xF7A;
	s5 =	simm.s32 @!p2 $0x0  }
0x1d: {  	s5 =	simm.s32 @p1 $0x1;
	p0 =	seq.s32 s7, s2  }
0x1e: {  	s7 =	smul.u32 @!p0 $0xF7A, s2;
	p2 =	seq.s32 @!p0 s5, $0x0  }
0x1f: {  	s9 =	smul.u32 $0xF7A, s1;
	s8 =	simm.s32 @!p0 $0x1BF5;
	p2 =	por !p2, p0  }
0x20: {  	[sflag:s8] =	ssyncset.s32 @!p0 $0xFFFFF086;
	s6 =	sadd.s32 @!p0 s3, s7;
	s7 =	simm.s32 @!p0 $0x108  }
0x21: {  	s3 =	sadd.s32 s3, s9;
	s6 =	sadd.s32 @!p0 $0x88, s6;
	s7 =	simm.s32 @p2 $0x1082  }
0x22: {  	[simem:s7], [sflag:s8] =	dma.local @!p0 [hbm:s6], $0xF7A  }
0x23: {  	s9 =	sor.u32 $0xD0000000, s2;
	s6 =	simm.s32 $0x108;
	_ =	swait.ge @!p0 [sflag:s8], $0x0  }
0x24: {  	s3 =	sadd.s32 $0x88, s3;
	s6 =	simm.s32 @!p1 $0x1082;
	[sflag:s4] =	ssyncset.s32 $0xFFFFF086  }
0x25: {  	[simem:s6], [sflag:s4] =	dma.local [hbm:s3], $0xF7A  }
0x26: {  	[smem:$0x3F9F] =	sst s1;
	(tag) =	ssettag s2;
	_ =	strace s9  }
0x27: {  	s1 =	sld [smem:$0x3FAF]  }
0x28: {  	s2 =	sld [smem:$0x3FB0]  }
0x29: {  	s4 =	sld [smem:$0x3FB2]  }
0x2a: {  	p0 =	seq.s32 s5, $0x0;
	s5 =	sld [smem:$0x3FB3]  }
0x2b: {  	s6 =	sld [smem:$0x3FB4]  }
0x2c: {  	s7 =	sld [smem:$0x3FB5]  }
0x2d: {  	s3 =	simm.s32 $0x108;
	s8 =	sld [smem:$0x3FB6]  }
0x2e: {  	s3 =	simm.s32 @!p0 $0x1082;
	s9 =	sld [smem:$0x3FB7]  }
0x2f: {  	lr =	sadd.s32 s0, s3;
	s0 =	sld [smem:$0x3FAE]  }
0x30: {  	s3 =	sld [smem:$0x3FB1]  }
0x31: {  	[smem:$0x3FBA] =	sst s10  }
0x32: {  	s10 =	sld [smem:$0x3FB8];
	_ =	sdelay $0x3  }
0x33: {  	p0 =	seq.s32 s10, $0x1;
	s10 =	sld [smem:$0x3FBA];
	_ =	sdelay $0x3  }
0x34: {  	[smem:$0x3FBA] =	sst s10  }
0x35: {  	s10 =	sld [smem:$0x3FB9];
	_ =	sdelay $0x3  }
0x36: {  	p1 =	seq.s32 s10, $0x1;
	s10 =	sld [smem:$0x3FBA];
	_ =	sdelay $0x3  }
0x37: {  	[smem:$0x3FBA] =	sst s10  }
0x38: {  	s10 =	sld [smem:$0x3FBB]  }
0x39: {  	_ = 	snop;
	(pc) =	sbr.ind lr, $3  }
0x3a: {  	_ = 	snop  }
0x3b: {  	_ = 	snop  }
0x3c: {  	p2 =	seq.s32 s10, $0x1;
	s10 =	sld [smem:$0x3FBA]  }
0x3d: {  	_ =	shalt  }
0x3e: {  	_ =	shalt  }
0x3f: {  	_ =	shalt  }
0x40: {  	_ =	shalt  }
0x41: {  	_ =	shalt  }
0x42: {  	_ =	shalt  }
0x43: {  	_ =	shalt  }
0x44: {  	_ =	shalt  }
0x45: {  	_ =	shalt  }
0x46: {  	_ =	shalt  }
0x47: {  	_ =	shalt  }
0x48: {  	_ =	shalt  }
0x49: {  	_ =	shalt  }
0x4a: {  	_ =	shalt  }
0x4b: {  	_ =	shalt  }
0x4c: {  	_ =	shalt  }
0x4d: {  	_ =	shalt  }
0x4e: {  	_ =	shalt  }
0x4f: {  	_ =	shalt  }
0x50: {  	_ =	shalt  }
0x51: {  	_ =	shalt  }
0x52: {  	_ =	shalt  }
0x53: {  	_ =	shalt  }
0x54: {  	_ =	shalt  }
0x55: {  	_ =	shalt  }
0x56: {  	_ =	shalt  }
0x57: {  	_ =	shalt  }
0x58: {  	_ =	shalt  }
0x59: {  	_ =	shalt  }
0x5a: {  	_ =	shalt  }
0x5b: {  	_ =	shalt  }
0x5c: {  	_ =	shalt  }
0x5d: {  	_ =	shalt  }
0x5e: {  	_ =	shalt  }
0x5f: {  	_ =	shalt  }
0x60: {  	_ =	shalt  }
0x61: {  	_ =	shalt  }
0x62: {  	_ =	shalt  }
0x63: {  	_ =	shalt  }
0x64: {  	_ =	shalt  }
0x65: {  	_ =	shalt  }
0x66: {  	_ =	shalt  }
0x67: {  	_ =	shalt  }
0x68: {  	_ =	shalt  }
0x69: {  	_ =	shalt  }
0x6a: {  	_ =	shalt  }
0x6b: {  	_ =	shalt  }
0x6c: {  	_ =	shalt  }
0x6d: {  	_ =	shalt  }
0x6e: {  	_ =	shalt  }
0x6f: {  	_ =	shalt  }
0x70: {  	_ =	shalt  }
0x71: {  	_ =	shalt  }
0x72: {  	_ =	shalt  }
0x73: {  	_ =	shalt  }
0x74: {  	_ =	shalt  }
0x75: {  	_ =	shalt  }
0x76: {  	_ =	shalt  }
0x77: {  	_ =	shalt  }
0x78: {  	_ =	shalt  }
0x79: {  	_ =	shalt  }
0x7a: {  	_ =	shalt  }
0x7b: {  	_ =	shalt  }
0x7c: {  	_ =	shalt  }
0x7d: {  	_ =	shalt  }
0x7e: {  	_ =	shalt  }
0x7f: {  	_ =	shalt  }
0x80: {  	_ =	shalt  }
0x81: {  	_ =	shalt  }
0x82: {  	_ =	shalt  }
0x83: {  	_ =	shalt  }
0x84: {  	_ =	shalt  }
0x85: {  	_ =	shalt  }
0x86: {  	_ =	shalt  }
0x87: {  	_ =	shalt  }
.Lfunc_end0:
.L_simem_size_0:
called_computation_lowered:
.L_overlay_start_0:
0x88: {  	s2 =	sld [smem:$0x3FD9]  }
0x89: {  	s3 =	sld [smem:$0x3FFE];
	_ =	sdelay $0x1  }
0x8a: {  	s1 =	srdreg.scid  }
0x8b: {  	s0 =	sand.u32 $0x1, s1  }
0x8c: {  	s17 =	sshll.u32 s0, $0xA;
	s2 =	sadd.s32 s3, s2  }
0x8d: {  	s2 =	sadd.s32 s2, s17  }
0x8e: {  	[smem:$0x3FC6] =	sst s2  }
0x8f: {  	_ = 	snop  }
0x90: {  	s2 =	sld [smem:$0x3FC9]  }
0x91: {  	s18 =	sld [smem:$0x3FD0];
	(tm) =	ssettm $0x1  }
0x92: {  	s4 =	sld [smem:$0x3FFB];
	_ =	sdelay $0x3  }
0x93: {  	_ =	strace s4  }
0x94: {  	s4 =	sld [smem:$0x3FFC];
	_ =	sdelay $0x3  }
0x95: {  	_ =	strace s4  }
0x96: {  	s4 =	sld [smem:$0x3FFD];
	_ =	sdelay $0x3  }
0x97: {  	_ =	strace s4  }
0x98: {  	_ =	strace $0x8FFFFFFF  }
0x99: {  	s19 =	sld [smem:$0x3FDB];
	_ =	sdelay $0x1  }
0x9a: {  	s5 =	simm.s32 $_scs_section_size  }
0x9b: {  	s6 =	simm.s32 $_size__tile_overlayer_lowered;
	s7 =	simm.s32 $_tile_overlayer_lowered  }
0x9c: {  	s22 =	simm.s32 $0x1BFF;
	s21 =	sshll.u32 s7, $0x1;
	s4 =	sadd.s32 s5, s19  }
0x9d: {  	s8 =	simm.s32 $0x0;
	s20 =	sshll.u32 s6, $0x1;
	s6 =	sadd.s32 s21, s4  }
0x9e: {  	[timem:s8], [sflag:s22] =	dma.local [hbm:s6], s20  }
0x9f: {  	_ =	swait.ge [sflag:s22], s20  }
0xa0: {  	s5 =	ssub.s32 $0x0, s20;
	[sflag:s22] =	ssyncset.done $0x0  }
0xa1: {  	[sflag:s22] =	ssyncadd.s32 s5;
	_ =	sdelay $0x1  }
0xa2: {  	s23 =	simm.s32 $0x1B8B  }
0xa3: {  	_ =	swait.ge [sflag:s23], $0x1  }
0xa4: {  	[sflag:s23] =	ssyncset.done $0x0  }
0xa5: {  	s25 =	simm.s32 $0x1B8E;
	s24 =	sld [smem:$0x3FFE];
	[sflag:s23] =	ssyncadd.s32 $0xFFFFFFFF  }
0xa6: {  	s26 =	simm.s32 $execute0_lowered;
	[smem:$0x3FD2] =	sst s25  }
0xa7: {  	s6 =	sshll.u32 s26, $0x1;
	_ =	strace $0x80000046;
	[dreg:$0x1] =	wrdreg $0xFFFFFFFF  }
0xa8: {  	s28 =	simm.s32 $_size_execute0_lowered;
	s4 =	sadd.s32 s4, s6;
	[dreg:$0x0] =	wrdreg $0x0  }
0xa9: {  	s6 =	sshll.u32 s28, $0x1;
	[dreg:$0x2] =	wrdreg s4  }
0xaa: {  	[dreg:$0x3] =	wrdreg s6  }
0xab: {  	[dreg:$0x4] =	wrdreg $0xC0  }
0xac: {  	_ =	task [dreg:s8], $0x5FFFF  }
0xad: {  	[dreg:$0x1] =	wrdreg $0xFFFFFFFF  }
0xae: {  	[dreg:$0x0] =	wrdreg $0x60  }
0xaf: {  	[dreg:$0x2] =	wrdreg s24  }
0xb0: {  	[dreg:$0x3] =	wrdreg s2  }
0xb1: {  	[dreg:$0x4] =	wrdreg s18  }
0xb2: {  	[dreg:$0x5] =	wrdreg $0xC7800  }
0xb3: {  	[dreg:$0x6] =	wrdreg $0x9  }
0xb4: {  	_ =	task.clear_ibuf [dreg:s8], $0x7FFFF;
	_ =	strace $0x90000046  }
0xb5: {  	s29 =	simm.s32 $0x9;
	_ =	strace $0x80000048  }
0xb6: {  	_ =	swait.ge [sflag:s29], $0x1  }
0xb7: {  	[sflag:s29] =	ssyncadd.s32 $0xFFFFFFFF  }
0xb8: {  	_ =	strace $0x90000048  }
0xb9: {  	_ =	sfence  }
0xba: {  	s30 =	sld [smem:$0x0];
	_ =	sdelay $0x2  }
0xbb: {  	s31 =	sshll.u32 s1, $0xD;
	s1 =	sshrl.u32 s1, $0x2  }
0xbc: {  	s3 =	sand.u32 $0x4000, s31;
	s1 =	sadd.s32 s1, s30  }
0xbd: {  	s0 =	sor.u32 s3, s0;
	s1 =	sshll.u32 s1, $0x11  }
0xbe: {  	s0 =	sor.u32 s1, s0  }
0xbf: {  	s0 =	sadd.s32 $0x8F2B, s0  }
0xc0: {  	[sflag:s0] =	ssyncadd.remote.s32 $0x1  }
0xc1: {  	_ =	sfence.sel $0xFFFF  }
0xc2: {  	[dreg:$0x0] =	wrdreg $0xFFFFFFFF;
	(pc) =	sbr.abs _section_cstart, $3  }
0xc3: {  	[dreg:$0x1] =	wrdreg $0xFFFFFFFF  }
0xc4: {  	_ =	task.clear_ibuf [dreg:s8], $0x2FFFF;
	_ =	strace $0x9FFFFFFF  }
0xc5: {  	(tm) =	ssettm $0x7FFFFFFF  }
tec
execute0_lowered:
.L_overlay_start_1:
0x0: {  	(tag) =	ssettag $0x1  }
0x1: {  	s0 =	rddreg [dreg:$0x0]  }
0x2: {  	s3 =	rddreg [dreg:$0x1]  }
0x3: {  	s4 =	rddreg [dreg:$0x2]  }
0x4: {  	s1 =	rddreg [dreg:$0x3]  }
0x5: {  	s2 =	simm.s32 $0x0;
	s5 =	stileid.u32;
	s6 =	srdreg.scid  }
0x6: {  	s28 =	simm.s32 $0x6380;
	s30 =	simm.s32 $0x7780;
	s31 =	simm.s32 $0xB380  }
0x7: {  	s29 =	simm.s32 $0x2;
	[smem:$0x7FF] =	sst s2;
	s7 =	smul.u32 $0x2700, s5  }
0x8: {  	s6 =	sand.u32 $0x1, s6;
	s9 =	sshll.u32 s5, $0x1;
	s10 =	smul.u32 $0x4E000, s5  }
0x9: {  	s12 =	sshll.u32 s5, $0x6;
	s19 =	smul.u32 $0x4E200, s5;
	p0 =	sne.s32 s5, $0x0  }
0xa: {  	s5 =	simm.s32 $0x4;
	_ =	strace $0x80000047;
	s8 =	ssub.s32 $0x2, s6  }
0xb: {  	s9 =	sor.u32 s6, s9;
	s25 =	sor.u32 $0x1C11, s12;
	s6 =	smul.u32 $0x27100, s6  }
0xc: {  	s12 =	simm.s32 $0xB;
	s7 =	sadd.s32 s7, s0;
	s24 =	smul.u32 $0x2710, s9  }
0xd: {  	s11 =	sshrl.u32 s8, $0x1;
	s10 =	sshrl.u32 s10, $0x2;
	s13 =	smul.u32 $0x138800, s9  }
0xe: {  	[dreg:$0x7] =	wrdreg s25;
	s9 =	smul.u32 $0x27100, s9;
	s0 =	sadd.s32 $0x27800, s0  }
0xf: {  	s8 =	ssub.s32 s8, s11;
	s7 =	sadd.s32 $0x800, s7;
	[dreg:$0x8] =	wrdreg s0  }
0x10: {  	s10 =	sadd.s32 s10, s1;
	[dreg:$0x6] =	wrdreg s7;
	s14 =	sadd.s32 s4, s9  }
0x11: {  	s11 =	sshrl.u32 s24, $0x3;
	s24 =	smax.u32 s8, $0x1;
	[dreg:$0xa] =	wrdreg s14  }
0x12: {  	s26 =	sshrl.u32 s13, $0x3;
	s11 =	sadd.s32 s3, s11;
	[dreg:$0x14] =	wrdreg s24  }
0x13: {  	s13 =	sadd.s32 s4, s26;
	s26 =	sshrl.u32 s10, $0x3;
	[dreg:$0x9] =	wrdreg s11  }
0x14: {  	s7 =	sadd.s32 $0x138000, s1;
	s15 =	sadd.s32 $0x280, s13;
	[dreg:$0x15] =	wrdreg s26  }
0x15: {  	s8 =	simm.s32 $0x7;
	s16 =	sadd.s32 $0x500, s13;
	[dreg:$0xb] =	wrdreg s15  }
0x16: {  	s9 =	simm.s32 $0x8;
	s17 =	sadd.s32 $0x780, s13;
	[dreg:$0xc] =	wrdreg s16  }
0x17: {  	s3 =	sadd.s32 s19, s4;
	s18 =	sadd.s32 $0xA00, s13;
	[dreg:$0xd] =	wrdreg s17  }
0x18: {  	s24 =	simm.s32 $0x1;
	s20 =	sadd.s32 $0xC80, s13;
	[dreg:$0xe] =	wrdreg s18  }
0x19: {  	s10 =	simm.s32 $0x9;
	s21 =	sadd.s32 $0xF00, s13;
	[dreg:$0xf] =	wrdreg s20  }
0x1a: {  	s14 =	simm.s32 $0xD;
	s22 =	sadd.s32 $0x1180, s13;
	[dreg:$0x10] =	wrdreg s21  }
0x1b: {  	s23 =	sadd.s32 $0x26C00, s13;
	s0 =	sadd.s32 $0x26E80, s13;
	[dreg:$0x11] =	wrdreg s22  }
0x1c: {  	s25 =	sadd.s32 s6, s3;
	s26 =	simm.s32 $0x9F80;
	[dreg:$0x12] =	wrdreg s23  }
0x1d: {  	s3 =	simm.s32 $0x3;
	s6 =	simm.s32 $0x5;
	[dreg:$0x13] =	wrdreg s0  }
0x1e: {  	s11 =	simm.s32 $0xA;
	s13 =	simm.s32 $0xC;
	[dreg:$0x5] =	wrdreg s25  }
0x1f: {  	s0 =	sshrl.u32 @!p0 s7, $0x3;
	s21 =	simm.s32 $0x28;
	s22 =	simm.s32 $0x2780  }
0x20: {  	s23 =	simm.s32 $0x3B80;
	s25 =	simm.s32 $0x4F80;
	s7 =	simm.s32 $0x6  }
0x21: {  	s15 =	simm.s32 $0xE;
	s16 =	simm.s32 $0xF;
	s17 =	simm.s32 $0x10  }
0x22: {  	s18 =	simm.s32 $0x0;
	[dreg:$0x16] =	wrdreg s0;
	s0 =	simm.s32 $0x8B80  }
.LBB2_1:
0x23: {  	[dreg:$0x17] =	wrdreg s18  }
0x24: {  	s4 =	rddreg [dreg:$0x6]  }
0x25: {  	s18 =	rddreg [dreg:$0x7]  }
0x26: {  	s19 =	rddreg [dreg:$0x15]  }
0x27: {  	[spmem:s19], [sflag:s18] =	dma.local [hbm:s4], $0x2700  }
0x28: {  	s19 =	simm.s32 $0x11  }
0x29: {  	_ =	swait.ge [sflag:s19], $0x2700  }
0x2a: {  	[sflag:s19] =	ssyncset.done $0x0;
	s4 =	rddreg [dreg:$0x8]  }
0x2b: {  	s20 =	rddreg [dreg:$0x16];
	[sflag:s19] =	ssyncadd.s32 $0xFFFFD900  }
0x2c: {  	[spmem:s20], [sflag:s18] =	dma.local @!p0 [hbm:s4], $0x100  }
0x2d: {  	s4 =	simm.s32 @!p0 $0x11  }
0x2e: {  	_ =	swait.ge @!p0 [sflag:s4], $0x100  }
0x2f: {  	[sflag:s4] =	ssyncset.done @!p0 $0x0  }
0x30: {  	s20 =	rddreg [dreg:$0x9];
	[sflag:s4] =	ssyncadd.s32 @!p0 $0xFFFFFF00  }
0x31: {  	[tilespmem:s2], [sflag:$0x11] =	stream.linear.gather [hbm4b:s20+s2], $0x2710, $0x38;
	v63 =	vld [tilespmem:$0x0]  }
0x32: {  	_ =	swait.ge [sflag:s19], $0x2710  }
0x33: {  	[sflag:s19] =	ssyncset.done $0x0  }
0x34: {  	[sflag:s19] =	ssyncadd.s32 $0xFFFFD8F0  }
0x35: {  	[bflag:$0x0] =	sbarrier.arrive $0xFFFF  }
0x36: {  	[tilespmem:s22], [sflag:$0x1] =	stream.indirect.gather [spmem:s1], $0x80, s2, s21, $0xb8;
	v63 =	vld [tilespmem:$0x0]  }
0x37: {  	_ = 	snop  }
0x38: {  	[tilespmem:s23], [sflag:$0x2] =	stream.indirect.gather [spmem:s1], $0x80, s21, s21, $0xb8;
	v63 =	vld [tilespmem:$0x0]  }
0x39: {  	s18 =	simm.s32 $0x50  }
0x3a: {  	[tilespmem:s25], [sflag:$0x3] =	stream.indirect.gather [spmem:s1], $0x80, s18, s21, $0xb8;
	v63 =	vld [tilespmem:$0x0]  }
0x3b: {  	s19 =	simm.s32 $0x78  }
0x3c: {  	[tilespmem:s28], [sflag:$0x4] =	stream.indirect.gather [spmem:s1], $0x80, s19, s21, $0xb8;
	v63 =	vld [tilespmem:$0x0]  }
0x3d: {  	s20 =	simm.s32 $0xA0  }
0x3e: {  	[tilespmem:s30], [sflag:$0x5] =	stream.indirect.gather [spmem:s1], $0x80, s20, s21, $0xb8;
	v63 =	vld [tilespmem:$0x0]  }
0x3f: {  	s18 =	simm.s32 $0xC8  }
0x40: {  	[tilespmem:s0], [sflag:$0x6] =	stream.indirect.gather [spmem:s1], $0x80, s18, s21, $0xb8;
	v63 =	vld [tilespmem:$0x0]  }
0x41: {  	s19 =	simm.s32 $0xF0  }
0x42: {  	[tilespmem:s26], [sflag:$0x7] =	stream.indirect.gather [spmem:s1], $0x80, s19, s21, $0xb8;
	v63 =	vld [tilespmem:$0x0]  }
0x43: {  	s20 =	simm.s32 $0x118  }
0x44: {  	[tilespmem:s31], [sflag:$0x8] =	stream.indirect.gather [spmem:s1], $0x80, s20, s21, $0xb8;
	v63 =	vld [tilespmem:$0x0]  }
0x45: {  	_ =	swait.ge [sflag:s24], $0x1400  }
0x46: {  	[sflag:s24] =	ssyncset.done $0x0  }
0x47: {  	s18 =	rddreg [dreg:$0xa];
	[sflag:s24] =	ssyncadd.s32 $0xFFFFEC00  }
0x48: {  	[hbm4b:s18+s2] =	stream.linear.scatter [tilespmem:s22], [sflag:$0x9], $0x1400, $0x38;
	v63 =	vld [tilespmem:$0x0]  }
0x49: {  	_ =	swait.ge [sflag:s29], $0x1400  }
0x4a: {  	[sflag:s29] =	ssyncset.done $0x0  }
0x4b: {  	s19 =	rddreg [dreg:$0xb];
	[sflag:s29] =	ssyncadd.s32 $0xFFFFEC00  }
0x4c: {  	[hbm4b:s19+s2] =	stream.linear.scatter [tilespmem:s23], [sflag:$0xA], $0x1400, $0x38;
	v63 =	vld [tilespmem:$0x0]  }
0x4d: {  	_ =	swait.ge [sflag:s3], $0x1400  }
0x4e: {  	[sflag:s3] =	ssyncset.done $0x0  }
0x4f: {  	s20 =	rddreg [dreg:$0xc];
	[sflag:s3] =	ssyncadd.s32 $0xFFFFEC00  }
0x50: {  	[hbm4b:s20+s2] =	stream.linear.scatter [tilespmem:s25], [sflag:$0xB], $0x1400, $0x38;
	v63 =	vld [tilespmem:$0x0]  }
0x51: {  	_ =	swait.ge [sflag:s5], $0x1400  }
0x52: {  	[sflag:s5] =	ssyncset.done $0x0  }
0x53: {  	s18 =	rddreg [dreg:$0xd];
	[sflag:s5] =	ssyncadd.s32 $0xFFFFEC00  }
0x54: {  	[hbm4b:s18+s2] =	stream.linear.scatter [tilespmem:s28], [sflag:$0xC], $0x1400, $0x38;
	v63 =	vld [tilespmem:$0x0]  }
0x55: {  	_ =	swait.ge [sflag:s6], $0x1400  }
0x56: {  	[sflag:s6] =	ssyncset.done $0x0  }
0x57: {  	s19 =	rddreg [dreg:$0xe];
	[sflag:s6] =	ssyncadd.s32 $0xFFFFEC00  }
0x58: {  	[hbm4b:s19+s2] =	stream.linear.scatter [tilespmem:s30], [sflag:$0xD], $0x1400, $0x38;
	v63 =	vld [tilespmem:$0x0]  }
0x59: {  	_ =	swait.ge [sflag:s7], $0x1400  }
0x5a: {  	[sflag:s7] =	ssyncset.done $0x0  }
0x5b: {  	s20 =	rddreg [dreg:$0xf];
	[sflag:s7] =	ssyncadd.s32 $0xFFFFEC00  }
0x5c: {  	[hbm4b:s20+s2] =	stream.linear.scatter [tilespmem:s0], [sflag:$0xE], $0x1400, $0x38;
	v63 =	vld [tilespmem:$0x0]  }
0x5d: {  	_ =	swait.ge [sflag:s8], $0x1400  }
0x5e: {  	[sflag:s8] =	ssyncset.done $0x0  }
0x5f: {  	s18 =	rddreg [dreg:$0x10];
	[sflag:s8] =	ssyncadd.s32 $0xFFFFEC00  }
0x60: {  	[hbm4b:s18+s2] =	stream.linear.scatter [tilespmem:s26], [sflag:$0xF], $0x1400, $0x38;
	v63 =	vld [tilespmem:$0x0]  }
0x61: {  	_ =	swait.ge [sflag:s9], $0x1400  }
0x62: {  	[sflag:s9] =	ssyncset.done $0x0  }
0x63: {  	s19 =	rddreg [dreg:$0x11];
	[sflag:s9] =	ssyncadd.s32 $0xFFFFEC00  }
0x64: {  	[hbm4b:s19+s2] =	stream.linear.scatter [tilespmem:s31], [sflag:$0x10], $0x1400, $0x38;
	v63 =	vld [tilespmem:$0x0]  }
0x65: {  	_ =	swait.ge [sflag:s10], $0x1400  }
0x66: {  	[sflag:s10] =	ssyncset.done $0x0  }
0x67: {  	s20 =	simm.s32 $0x140;
	[sflag:s10] =	ssyncadd.s32 $0xFFFFEC00  }
0x68: {  	[tilespmem:s22], [sflag:$0x1] =	stream.indirect.gather [spmem:s1], $0x80, s20, s21, $0xb8;
	v63 =	vld [tilespmem:$0x0]  }
0x69: {  	_ =	swait.ge [sflag:s11], $0x1400  }
0x6a: {  	[sflag:s11] =	ssyncset.done $0x0  }
0x6b: {  	s18 =	simm.s32 $0x168;
	[sflag:s11] =	ssyncadd.s32 $0xFFFFEC00  }
0x6c: {  	[tilespmem:s23], [sflag:$0x2] =	stream.indirect.gather [spmem:s1], $0x80, s18, s21, $0xb8;
	v63 =	vld [tilespmem:$0x0]  }
0x6d: {  	_ =	swait.ge [sflag:s12], $0x1400  }
0x6e: {  	[sflag:s12] =	ssyncset.done $0x0  }
0x6f: {  	s19 =	simm.s32 $0x190;
	[sflag:s12] =	ssyncadd.s32 $0xFFFFEC00  }
0x70: {  	[tilespmem:s25], [sflag:$0x3] =	stream.indirect.gather [spmem:s1], $0x80, s19, s21, $0xb8;
	v63 =	vld [tilespmem:$0x0]  }
0x71: {  	_ =	swait.ge [sflag:s13], $0x1400  }
0x72: {  	[sflag:s13] =	ssyncset.done $0x0  }
0x73: {  	s20 =	simm.s32 $0x1B8;
	[sflag:s13] =	ssyncadd.s32 $0xFFFFEC00  }
0x74: {  	[tilespmem:s28], [sflag:$0x4] =	stream.indirect.gather [spmem:s1], $0x80, s20, s21, $0xb8;
	v63 =	vld [tilespmem:$0x0]  }
0x75: {  	_ =	swait.ge [sflag:s14], $0x1400  }
0x76: {  	[sflag:s14] =	ssyncset.done $0x0  }
0x77: {  	s18 =	simm.s32 $0x1E0;
	[sflag:s14] =	ssyncadd.s32 $0xFFFFEC00  }
0x78: {  	[tilespmem:s30], [sflag:$0x5] =	stream.indirect.gather [spmem:s1], $0x80, s18, s21, $0xb8;
	v63 =	vld [tilespmem:$0x0]  }
0x79: {  	_ =	swait.ge [sflag:s15], $0x1400  }
0x7a: {  	[sflag:s15] =	ssyncset.done $0x0  }
0x7b: {  	s19 =	simm.s32 $0x208;
	[sflag:s15] =	ssyncadd.s32 $0xFFFFEC00  }
0x7c: {  	[tilespmem:s0], [sflag:$0x6] =	stream.indirect.gather [spmem:s1], $0x80, s19, s21, $0xb8;
	v63 =	vld [tilespmem:$0x0]  }
0x7d: {  	_ =	swait.ge [sflag:s16], $0x1400  }
0x7e: {  	[sflag:s16] =	ssyncset.done $0x0  }
0x7f: {  	s20 =	simm.s32 $0x230;
	[sflag:s16] =	ssyncadd.s32 $0xFFFFEC00  }
0x80: {  	[tilespmem:s26], [sflag:$0x7] =	stream.indirect.gather [spmem:s1], $0x80, s20, s21, $0xb8;
	v63 =	vld [tilespmem:$0x0]  }
0x81: {  	_ =	swait.ge [sflag:s17], $0x1400  }
0x82: {  	[sflag:s17] =	ssyncset.done $0x0  }
0x83: {  	s18 =	simm.s32 $0x258;
	[sflag:s17] =	ssyncadd.s32 $0xFFFFEC00  }
0x84: {  	[tilespmem:s31], [sflag:$0x8] =	stream.indirect.gather [spmem:s1], $0x80, s18, s21, $0xb8;
	v63 =	vld [tilespmem:$0x0]  }
0x85: {  	_ =	swait.ge [sflag:s24], $0x1400  }
0x86: {  	s19 =	rddreg [dreg:$0x5]  }
0x87: {  	[sflag:s24] =	ssyncset.done $0x0;
	s4 =	sadd.s32 $0x0, s19  }
0x88: {  	[sflag:s24] =	ssyncadd.s32 $0xFFFFEC00;
	s20 =	sadd.s32 $0x1400, s4  }
0x89: {  	[hbm4b:s20+s2] =	stream.linear.scatter [tilespmem:s22], [sflag:$0x9], $0x1400, $0x38;
	v63 =	vld [tilespmem:$0x0]  }
0x8a: {  	_ =	swait.ge [sflag:s29], $0x1400  }
0x8b: {  	[sflag:s29] =	ssyncset.done $0x0  }
0x8c: {  	s18 =	sadd.s32 $0x1680, s4;
	[sflag:s29] =	ssyncadd.s32 $0xFFFFEC00  }
0x8d: {  	[hbm4b:s18+s2] =	stream.linear.scatter [tilespmem:s23], [sflag:$0xA], $0x1400, $0x38;
	v63 =	vld [tilespmem:$0x0]  }
0x8e: {  	_ =	swait.ge [sflag:s3], $0x1400  }
0x8f: {  	[sflag:s3] =	ssyncset.done $0x0  }
0x90: {  	s20 =	sadd.s32 $0x1900, s4;
	[sflag:s3] =	ssyncadd.s32 $0xFFFFEC00  }
0x91: {  	[hbm4b:s20+s2] =	stream.linear.scatter [tilespmem:s25], [sflag:$0xB], $0x1400, $0x38;
	v63 =	vld [tilespmem:$0x0]  }
0x92: {  	_ =	swait.ge [sflag:s5], $0x1400  }
0x93: {  	[sflag:s5] =	ssyncset.done $0x0  }
0x94: {  	s18 =	sadd.s32 $0x1B80, s4;
	[sflag:s5] =	ssyncadd.s32 $0xFFFFEC00  }
0x95: {  	[hbm4b:s18+s2] =	stream.linear.scatter [tilespmem:s28], [sflag:$0xC], $0x1400, $0x38;
	v63 =	vld [tilespmem:$0x0]  }
0x96: {  	_ =	swait.ge [sflag:s6], $0x1400  }
0x97: {  	[sflag:s6] =	ssyncset.done $0x0  }
0x98: {  	s20 =	sadd.s32 $0x1E00, s4;
	[sflag:s6] =	ssyncadd.s32 $0xFFFFEC00  }
0x99: {  	[hbm4b:s20+s2] =	stream.linear.scatter [tilespmem:s30], [sflag:$0xD], $0x1400, $0x38;
	v63 =	vld [tilespmem:$0x0]  }
0x9a: {  	_ =	swait.ge [sflag:s7], $0x1400  }
0x9b: {  	[sflag:s7] =	ssyncset.done $0x0  }
0x9c: {  	s18 =	sadd.s32 $0x2080, s4;
	[sflag:s7] =	ssyncadd.s32 $0xFFFFEC00  }
0x9d: {  	[hbm4b:s18+s2] =	stream.linear.scatter [tilespmem:s0], [sflag:$0xE], $0x1400, $0x38;
	v63 =	vld [tilespmem:$0x0]  }
0x9e: {  	_ =	swait.ge [sflag:s8], $0x1400  }
0x9f: {  	[sflag:s8] =	ssyncset.done $0x0  }
0xa0: {  	s20 =	sadd.s32 $0x2300, s4;
	[sflag:s8] =	ssyncadd.s32 $0xFFFFEC00  }
0xa1: {  	[hbm4b:s20+s2] =	stream.linear.scatter [tilespmem:s26], [sflag:$0xF], $0x1400, $0x38;
	v63 =	vld [tilespmem:$0x0]  }
0xa2: {  	_ =	swait.ge [sflag:s9], $0x1400  }
0xa3: {  	s19 =	sadd.s32 $0x2580, s4;
	[sflag:s9] =	ssyncset.done $0x0  }
0xa4: {  	s4 =	simm.s32 $0x398;
	s20 =	simm.s32 $0x1400;
	[sflag:s9] =	ssyncadd.s32 $0xFFFFEC00  }
.LBB2_2:
0xa5: {  	[hbm4b:s19+s2] =	stream.linear.scatter [tilespmem:s31], [sflag:$0x10], $0x1400, $0x38;
	v63 =	vld [tilespmem:$0x0]  }
0xa6: {  	_ =	swait.ge [sflag:s10], $0x1400  }
0xa7: {  	[sflag:s10] =	ssyncset.done $0x0  }
0xa8: {  	s18 =	sadd.s32 $0xFFFFFEE8, s4;
	[sflag:s10] =	ssyncadd.s32 $0xFFFFEC00  }
0xa9: {  	[tilespmem:s22], [sflag:$0x1] =	stream.indirect.gather [spmem:s1], $0x80, s18, s21, $0xb8;
	v63 =	vld [tilespmem:$0x0]  }
0xaa: {  	_ =	swait.ge [sflag:s11], $0x1400  }
0xab: {  	[sflag:s11] =	ssyncset.done $0x0  }
0xac: {  	s18 =	sadd.s32 $0xFFFFFF10, s4;
	[sflag:s11] =	ssyncadd.s32 $0xFFFFEC00  }
0xad: {  	[tilespmem:s23], [sflag:$0x2] =	stream.indirect.gather [spmem:s1], $0x80, s18, s21, $0xb8;
	v63 =	vld [tilespmem:$0x0]  }
0xae: {  	_ =	swait.ge [sflag:s12], $0x1400  }
0xaf: {  	[sflag:s12] =	ssyncset.done $0x0  }
0xb0: {  	s18 =	sadd.s32 $0xFFFFFF38, s4;
	[sflag:s12] =	ssyncadd.s32 $0xFFFFEC00  }
0xb1: {  	[tilespmem:s25], [sflag:$0x3] =	stream.indirect.gather [spmem:s1], $0x80, s18, s21, $0xb8;
	v63 =	vld [tilespmem:$0x0]  }
0xb2: {  	_ =	swait.ge [sflag:s13], $0x1400  }
0xb3: {  	[sflag:s13] =	ssyncset.done $0x0  }
0xb4: {  	s18 =	sadd.s32 $0xFFFFFF60, s4;
	[sflag:s13] =	ssyncadd.s32 $0xFFFFEC00  }
0xb5: {  	[tilespmem:s28], [sflag:$0x4] =	stream.indirect.gather [spmem:s1], $0x80, s18, s21, $0xb8;
	v63 =	vld [tilespmem:$0x0]  }
0xb6: {  	_ =	swait.ge [sflag:s14], $0x1400  }
0xb7: {  	[sflag:s14] =	ssyncset.done $0x0  }
0xb8: {  	s18 =	sadd.s32 $0xFFFFFF88, s4;
	[sflag:s14] =	ssyncadd.s32 $0xFFFFEC00  }
0xb9: {  	[tilespmem:s30], [sflag:$0x5] =	stream.indirect.gather [spmem:s1], $0x80, s18, s21, $0xb8;
	v63 =	vld [tilespmem:$0x0]  }
0xba: {  	_ =	swait.ge [sflag:s15], $0x1400  }
0xbb: {  	[sflag:s15] =	ssyncset.done $0x0  }
0xbc: {  	s18 =	sadd.s32 $0xFFFFFFB0, s4;
	[sflag:s15] =	ssyncadd.s32 $0xFFFFEC00  }
0xbd: {  	[tilespmem:s0], [sflag:$0x6] =	stream.indirect.gather [spmem:s1], $0x80, s18, s21, $0xb8;
	v63 =	vld [tilespmem:$0x0]  }
0xbe: {  	_ =	swait.ge [sflag:s16], $0x1400  }
0xbf: {  	[sflag:s16] =	ssyncset.done $0x0  }
0xc0: {  	s18 =	sadd.s32 $0xFFFFFFD8, s4;
	[sflag:s16] =	ssyncadd.s32 $0xFFFFEC00  }
0xc1: {  	[tilespmem:s26], [sflag:$0x7] =	stream.indirect.gather [spmem:s1], $0x80, s18, s21, $0xb8;
	v63 =	vld [tilespmem:$0x0]  }
0xc2: {  	_ =	swait.ge [sflag:s17], $0x1400  }
0xc3: {  	[sflag:s17] =	ssyncset.done $0x0  }
0xc4: {  	[sflag:s17] =	ssyncadd.s32 $0xFFFFEC00  }
0xc5: {  	[tilespmem:s31], [sflag:$0x8] =	stream.indirect.gather [spmem:s1], $0x80, s4, s21, $0xb8;
	v63 =	vld [tilespmem:$0x0]  }
0xc6: {  	_ =	swait.ge [sflag:s24], $0x1400  }
0xc7: {  	s19 =	smov.u32 s20;
	s18 =	rddreg [dreg:$0x5]  }
0xc8: {  	[sflag:s24] =	ssyncset.done $0x0;
	s19 =	sadd.s32 s19, s18  }
0xc9: {  	[sflag:s24] =	ssyncadd.s32 $0xFFFFEC00;
	s18 =	sadd.s32 $0x1400, s19  }
0xca: {  	[hbm4b:s18+s2] =	stream.linear.scatter [tilespmem:s22], [sflag:$0x9], $0x1400, $0x38;
	v63 =	vld [tilespmem:$0x0]  }
0xcb: {  	_ =	swait.ge [sflag:s29], $0x1400  }
0xcc: {  	[sflag:s29] =	ssyncset.done $0x0  }
0xcd: {  	s18 =	sadd.s32 $0x1680, s19;
	[sflag:s29] =	ssyncadd.s32 $0xFFFFEC00  }
0xce: {  	[hbm4b:s18+s2] =	stream.linear.scatter [tilespmem:s23], [sflag:$0xA], $0x1400, $0x38;
	v63 =	vld [tilespmem:$0x0]  }
0xcf: {  	_ =	swait.ge [sflag:s3], $0x1400  }
0xd0: {  	[sflag:s3] =	ssyncset.done $0x0  }
0xd1: {  	s18 =	sadd.s32 $0x1900, s19;
	[sflag:s3] =	ssyncadd.s32 $0xFFFFEC00  }
0xd2: {  	[hbm4b:s18+s2] =	stream.linear.scatter [tilespmem:s25], [sflag:$0xB], $0x1400, $0x38;
	v63 =	vld [tilespmem:$0x0]  }
0xd3: {  	_ =	swait.ge [sflag:s5], $0x1400  }
0xd4: {  	[sflag:s5] =	ssyncset.done $0x0  }
0xd5: {  	s18 =	sadd.s32 $0x1B80, s19;
	[sflag:s5] =	ssyncadd.s32 $0xFFFFEC00  }
0xd6: {  	[hbm4b:s18+s2] =	stream.linear.scatter [tilespmem:s28], [sflag:$0xC], $0x1400, $0x38;
	v63 =	vld [tilespmem:$0x0]  }
0xd7: {  	_ =	swait.ge [sflag:s6], $0x1400  }
0xd8: {  	[sflag:s6] =	ssyncset.done $0x0  }
0xd9: {  	s18 =	sadd.s32 $0x1E00, s19;
	[sflag:s6] =	ssyncadd.s32 $0xFFFFEC00  }
0xda: {  	[hbm4b:s18+s2] =	stream.linear.scatter [tilespmem:s30], [sflag:$0xD], $0x1400, $0x38;
	v63 =	vld [tilespmem:$0x0]  }
0xdb: {  	_ =	swait.ge [sflag:s7], $0x1400  }
0xdc: {  	[sflag:s7] =	ssyncset.done $0x0  }
0xdd: {  	s18 =	sadd.s32 $0x2080, s19;
	[sflag:s7] =	ssyncadd.s32 $0xFFFFEC00  }
0xde: {  	[hbm4b:s18+s2] =	stream.linear.scatter [tilespmem:s0], [sflag:$0xE], $0x1400, $0x38;
	v63 =	vld [tilespmem:$0x0]  }
0xdf: {  	_ =	swait.ge [sflag:s8], $0x1400  }
0xe0: {  	p1 =	sne.s32 s20, $0x24400;
	[sflag:s8] =	ssyncset.done $0x0  }
.Ltmp0:
0xe1: {  	s18 =	sadd.s32 $0x2300, s19;
	[sflag:s8] =	ssyncadd.s32 $0xFFFFEC00;
	(pc) =	sbr.rel @p1 .LBB2_2-.Ltmp0, $4  }
0xe2: {  	[hbm4b:s18+s2] =	stream.linear.scatter [tilespmem:s26], [sflag:$0xF], $0x1400, $0x38;
	v63 =	vld [tilespmem:$0x0]  }
0xe3: {  	_ =	swait.ge [sflag:s9], $0x1400  }
0xe4: {  	s20 =	sadd.s32 $0x1400, s20;
	[sflag:s9] =	ssyncset.done $0x0  }
0xe5: {  	s4 =	sadd.s32 $0x140, s4;
	s19 =	sadd.s32 $0x2580, s19;
	[sflag:s9] =	ssyncadd.s32 $0xFFFFEC00  }
0xe6: {  	[hbm4b:s19+s2] =	stream.linear.scatter [tilespmem:s31], [sflag:$0x10], $0x1400, $0x38;
	v63 =	vld [tilespmem:$0x0]  }
0xe7: {  	_ =	swait.ge [sflag:s10], $0x1400  }
0xe8: {  	[sflag:s10] =	ssyncset.done $0x0  }
0xe9: {  	s4 =	simm.s32 $0x26C0;
	[sflag:s10] =	ssyncadd.s32 $0xFFFFEC00  }
0xea: {  	[tilespmem:s22], [sflag:$0x1] =	stream.indirect.gather [spmem:s1], $0x80, s4, s21, $0xb8;
	v63 =	vld [tilespmem:$0x0]  }
0xeb: {  	_ =	swait.ge [sflag:s11], $0x1400  }
0xec: {  	[sflag:s11] =	ssyncset.done $0x0  }
0xed: {  	s20 =	simm.s32 $0x26E8;
	[sflag:s11] =	ssyncadd.s32 $0xFFFFEC00  }
0xee: {  	[tilespmem:s23], [sflag:$0x2] =	stream.indirect.gather [spmem:s1], $0x80, s20, s21, $0xb8;
	v63 =	vld [tilespmem:$0x0]  }
0xef: {  	_ =	swait.ge [sflag:s24], $0x1400  }
0xf0: {  	[sflag:s24] =	ssyncset.done $0x0  }
0xf1: {  	s18 =	rddreg [dreg:$0x12];
	[sflag:s24] =	ssyncadd.s32 $0xFFFFEC00  }
0xf2: {  	[hbm4b:s18+s2] =	stream.linear.scatter [tilespmem:s22], [sflag:$0x9], $0x1400, $0x38;
	v63 =	vld [tilespmem:$0x0]  }
0xf3: {  	_ =	swait.ge [sflag:s29], $0x1400  }
0xf4: {  	[sflag:s29] =	ssyncset.done $0x0  }
0xf5: {  	s19 =	rddreg [dreg:$0x13];
	[sflag:s29] =	ssyncadd.s32 $0xFFFFEC00  }
0xf6: {  	[hbm4b:s19+s2] =	stream.linear.scatter [tilespmem:s23], [sflag:$0xA], $0x1400, $0x38;
	v63 =	vld [tilespmem:$0x0]  }
0xf7: {  	_ =	swait.ge [sflag:s10], $0x1400  }
0xf8: {  	[sflag:s10] =	ssyncset.done $0x0  }
0xf9: {  	[sflag:s10] =	ssyncadd.s32 $0xFFFFEC00  }
0xfa: {  	_ =	swait.ge [sflag:s11], $0x1400  }
0xfb: {  	[sflag:s11] =	ssyncset.done $0x0  }
0xfc: {  	[sflag:s11] =	ssyncadd.s32 $0xFFFFEC00  }
0xfd: {  	_ =	swait.ge [sflag:s12], $0x1400  }
0xfe: {  	[sflag:s12] =	ssyncset.done $0x0  }
0xff: {  	[sflag:s12] =	ssyncadd.s32 $0xFFFFEC00  }
0x100: {  	_ =	swait.ge [sflag:s13], $0x1400  }
0x101: {  	[sflag:s13] =	ssyncset.done $0x0  }
0x102: {  	[sflag:s13] =	ssyncadd.s32 $0xFFFFEC00  }
0x103: {  	_ =	swait.ge [sflag:s14], $0x1400  }
0x104: {  	[sflag:s14] =	ssyncset.done $0x0  }
0x105: {  	[sflag:s14] =	ssyncadd.s32 $0xFFFFEC00  }
0x106: {  	_ =	swait.ge [sflag:s15], $0x1400  }
0x107: {  	[sflag:s15] =	ssyncset.done $0x0  }
0x108: {  	[sflag:s15] =	ssyncadd.s32 $0xFFFFEC00  }
0x109: {  	_ =	swait.ge [sflag:s16], $0x1400  }
0x10a: {  	[sflag:s16] =	ssyncset.done $0x0  }
0x10b: {  	[sflag:s16] =	ssyncadd.s32 $0xFFFFEC00  }
0x10c: {  	_ =	swait.ge [sflag:s17], $0x1400  }
0x10d: {  	s18 =	rddreg [dreg:$0x17]  }
0x10e: {  	s20 =	rddreg [dreg:$0x14];
	s18 =	sadd.s32 $0x1, s18  }
0x10f: {  	p1 =	sne.s32 s18, s20  }
.Ltmp1:
0x110: {  	_ = 	snop;
	(pc) =	sbr.rel @p1 .LBB2_1-.Ltmp1, $3  }
0x111: {  	_ =	sdelay $0x1  }
0x112: {  	[sflag:s17] =	ssyncset.done $0x0  }
0x113: {  	[sflag:s17] =	ssyncadd.s32 $0xFFFFEC00  }
0x114: {  	_ =	sfence.sel $0x180000  }
0x115: {  	[bflag:$0x0] =	sbarrier.arrive $0xFFFF  }
0x116: {  	_ =	strace $0x90000047  }
0x117: {  	[bflag:$0x2] =	sbarrier.arrive $0xFFFF  }
0x118: {  	s0 =	rddreg [dreg:$0x4]  }
0x119: {  	s0 =	sadd.s32 @!p0 $0x100000, s0  }
0x11a: {  	[sflag:s0] =	ssyncadd.tile.s32 @!p0 $0x1;
	_ =	shalt  }
.Lfunc_end2:
_tile_overlayer_lowered:
.L_overlay_start_2:
0x11b: {  	(tag) =	ssettag $0x2  }
0x11c: {  	s0 =	rddreg [dreg:$0x0];
	s2 =	stileid.u32  }
0x11d: {  	s1 =	rddreg [dreg:$0x1];
	p0 =	sne.s32 s2, $0x0  }
0x11e: {  	s3 =	rddreg [dreg:$0x2];
	[bflag:$0x3] =	sbarrier.arrive $0xFFFF;
	s2 =	simm.s32 @!p0 $0x1C11  }
0x11f: {  	[timem:s3], [sflag:s2] =	dma.local @!p0 [hbm:s0], s1  }
0x120: {  	s0 =	simm.s32 @!p0 $0x11  }
0x121: {  	_ =	swait.ge @!p0 [sflag:s0], s1  }
0x122: {  	s1 =	ssub.s32 @!p0 $0x0, s1;
	[sflag:s0] =	ssyncset.done @!p0 $0x0  }
0x123: {  	[sflag:s0] =	ssyncadd.s32 @!p0 s1  }
0x124: {  	[bflag:$0x3] =	sbarrier.arrive $0xFFFF  }
0x125: {  	_ =	shalt  }

</sc_bundles>
